<compile_context>
chip_gen: v7x
topology: tpu7x:2x2x1
jax: 0.10.2.dev20260603
libtpu: 0.0.44.dev20260713+nightly
codegen_flags: <defaults>
</compile_context>

<pallas_src>
import functools

import jax
import jax.numpy as jnp
from jax import lax
from jax.experimental import pallas as pl
from jax.experimental.pallas import tpu as pltpu
from jax.experimental.pallas import tpu_sc as plsc

NUM_CORES = 2
NUM_SUBCORES = 16
NUM_WORKERS = NUM_CORES * NUM_SUBCORES

GATHER_ROWS = 128
GATHERS_PER_ROUND = 5
ROUND_ROWS = GATHER_ROWS * GATHERS_PER_ROUND


def _make_kernel(total, dim):
    assert total % (NUM_WORKERS * ROUND_ROWS) == 0
    per_worker = total // NUM_WORKERS
    gathers = per_worker // GATHER_ROWS
    rounds = per_worker // ROUND_ROWS
    assert rounds % 2 == 0 and rounds >= 4

    mesh = plsc.VectorSubcoreMesh(core_axis_name="c", subcore_axis_name="s")

    @functools.partial(
        pl.kernel,
        out_type=jax.ShapeDtypeStruct((total, dim), jnp.float32),
        mesh=mesh,
        compiler_params=pltpu.CompilerParams(use_tc_tiling_on_sc=False),
        scratch_types=[
            pltpu.VMEM((gathers, GATHER_ROWS), jnp.int32),
            pltpu.VMEM((ROUND_ROWS, dim), jnp.float32),
            pltpu.VMEM((ROUND_ROWS, dim), jnp.float32),
            pltpu.SemaphoreType.DMA,
            pltpu.SemaphoreType.DMA,
            pltpu.SemaphoreType.DMA,
            pltpu.SemaphoreType.DMA,
        ],
    )
    def gather_kernel(idx_hbm, table_hbm, out_hbm, idx_v, rows0, rows1,
                      g0, g1, w0, w1):
        wid = lax.axis_index("s") * NUM_CORES + lax.axis_index("c")
        pltpu.sync_copy(idx_hbm.at[wid], idx_v)
        row_base = wid * per_worker

        def fire_round(j, buf, sem):
            for g in range(GATHERS_PER_ROUND):
                pltpu.async_copy(
                    table_hbm.at[idx_v.at[j * GATHERS_PER_ROUND + g]],
                    buf.at[pl.ds(g * GATHER_ROWS, GATHER_ROWS)],
                    sem,
                )

        def drain_round(j, buf, sem):
            for g in range(GATHERS_PER_ROUND):
                pltpu.make_async_copy(
                    table_hbm.at[idx_v.at[j * GATHERS_PER_ROUND + g]],
                    buf.at[pl.ds(g * GATHER_ROWS, GATHER_ROWS)],
                    sem,
                ).wait()

        def fire_wb(j, buf, sem):
            pltpu.async_copy(
                buf, out_hbm.at[pl.ds(row_base + j * ROUND_ROWS, ROUND_ROWS)], sem
            )

        def drain_wb(j, buf, sem):
            pltpu.make_async_copy(
                buf, out_hbm.at[pl.ds(row_base + j * ROUND_ROWS, ROUND_ROWS)], sem
            ).wait()

        fire_round(0, rows0, g0)

        def body(i, carry):
            r0 = 2 * i
            r1 = r0 + 1

            drain_round(r0, rows0, g0)
            fire_wb(r0, rows0, w0)
            @pl.when(i > 0)
            def _():
                drain_wb(r0 - 1, rows1, w1)

            fire_round(r1, rows1, g1)

            drain_round(r1, rows1, g1)
            fire_wb(r1, rows1, w1)
            @pl.when(i < rounds // 2 - 1)
            def _():
                drain_wb(r0, rows0, w0)
                fire_round(r1 + 1, rows0, g0)

            return carry

        lax.fori_loop(0, rounds // 2, body, 0)

        drain_wb(rounds - 2, rows0, w0)
        drain_wb(rounds - 1, rows1, w1)

    return gather_kernel


def kernel(token_ids, weight):
    b, t = token_ids.shape
    total = b * t
    dim = weight.shape[1]
    per_worker = total // NUM_WORKERS
    idx3d = token_ids.reshape(
        NUM_WORKERS, per_worker // GATHER_ROWS, GATHER_ROWS
    ).astype(jnp.int32)
    out = _make_kernel(total, dim)(idx3d, weight)
    return out.reshape(b, t, dim)

# --- scband reference (transcript-rebuilt; emitter-appended) ---
"""Pipeline reference for scband-my-embedding-66408784331364 (READ-ONLY COPY).

The authoritative reference and input builder live on the scoring server;
editing this copy changes nothing except your own understanding.
"""

import jax, jax.numpy as jnp
import numpy as np

NUM_EMBEDDINGS = 1000000
EMBEDDING_DIM = 64

def setup_inputs(seed: int = 0) -> dict:
    key = jax.random.key(seed)
    k_ids, k_w = jax.random.split(key)
    token_ids = jax.random.randint(k_ids, (4096, 50), 0, NUM_EMBEDDINGS, dtype=jnp.int64 if jax.config.jax_enable_x64 else jnp.int32)
    # trunc_normal_(mean=0, std=1, a=-3, b=3)
    weight = jax.random.truncated_normal(k_w, -3.0, 3.0, (NUM_EMBEDDINGS, EMBEDDING_DIM), dtype=jnp.float32)
    return {"token_ids": token_ids, "weight": weight}

def reference(token_ids, weight):
    # forward: self.weight[token_ids]
    return jnp.take(weight, token_ids, axis=0)

if __name__ == "__main__":
    import jax
    _d = setup_inputs()
    print(jax.jit(kernel)(*tuple(_d.values())))

</pallas_src>

<mosaic_0001>
#map = affine_map<(d0, d1) -> (0, 0, 0)>
#map1 = affine_map<(d0, d1) -> (0, 0)>
module attributes {stable_mosaic.version = 14 : i64} {
  func.func @gather_kernel(%arg0: i32, %arg1: i32, %arg2: memref<32x50x128xi32, #tpu.memory_space<hbm>>, %arg3: memref<1000000x64xf32, #tpu.memory_space<hbm>>, %arg4: memref<204800x64xf32, #tpu.memory_space<hbm>>, %arg5: memref<50x128xi32, #tpu.memory_space<vmem>>, %arg6: memref<640x64xf32, #tpu.memory_space<vmem>>, %arg7: memref<640x64xf32, #tpu.memory_space<vmem>>, %arg8: memref<!tpu.dma_semaphore, #tpu.memory_space<semaphore_mem>>, %arg9: memref<!tpu.dma_semaphore, #tpu.memory_space<semaphore_mem>>, %arg10: memref<!tpu.dma_semaphore, #tpu.memory_space<semaphore_mem>>, %arg11: memref<!tpu.dma_semaphore, #tpu.memory_space<semaphore_mem>>) attributes {dimension_semantics = [#tpu.dimension_semantics<core_parallel>, #tpu.dimension_semantics<subcore_parallel>], iteration_bounds = array<i64: 2, 16>, scalar_prefetch = 0 : i64, scratch_operands = 7 : i64, tpu.core_type = #tpu.core_type<sc_vector_subcore>, window_params = [{transform_indices = #map}, {transform_indices = #map1}, {transform_indices = #map1}]} {
    %mul3A = arith.constant 2 : i32
    %mul3A_0 = arith.muli %arg1, %mul3A : i32
    %add3A = arith.addi %mul3A_0, %arg0 : i32
    "tpu.region"() ({
      %run_scoped3A = tpu.sem_alloc : memref<!tpu.dma_semaphore, #tpu.memory_space<semaphore_mem>>
      %dma_start3A_68 = arith.constant 0 : i32
      %dma_start3A_69 = arith.constant 0 : i32
      %dma_start3A_70 = tpu.memref_slice %arg2[%add3A, %dma_start3A_68, %dma_start3A_69] : memref<32x50x128xi32, #tpu.memory_space<hbm>> -> memref<1x50x128xi32, #tpu.memory_space<hbm>>
      %dma_start3A_71 = tpu.memref_squeeze %dma_start3A_70 : memref<1x50x128xi32, #tpu.memory_space<hbm>> -> memref<50x128xi32, #tpu.memory_space<hbm>>
      %dma_start3A_72 = arith.constant 0 : i32
      %dma_start3A_73 = arith.constant 0 : i32
      %dma_start3A_74 = tpu.memref_slice %arg2[%add3A, %dma_start3A_72, %dma_start3A_73] : memref<32x50x128xi32, #tpu.memory_space<hbm>> -> memref<1x50x128xi32, #tpu.memory_space<hbm>>
      %dma_start3A_75 = tpu.memref_squeeze %dma_start3A_74 : memref<1x50x128xi32, #tpu.memory_space<hbm>> -> memref<50x128xi32, #tpu.memory_space<hbm>>
      tpu.enqueue_dma source(%dma_start3A_75 : memref<50x128xi32, #tpu.memory_space<hbm>>) target(%arg5 : memref<50x128xi32, #tpu.memory_space<vmem>>) target_semaphore(%run_scoped3A : memref<!tpu.dma_semaphore, #tpu.memory_space<semaphore_mem>>)
      %dma_wait3A_76 = arith.constant 0 : i32
      %dma_wait3A_77 = arith.constant 0 : i32
      %dma_wait3A_78 = tpu.memref_slice %arg2[%add3A, %dma_wait3A_76, %dma_wait3A_77] : memref<32x50x128xi32, #tpu.memory_space<hbm>> -> memref<1x50x128xi32, #tpu.memory_space<hbm>>
      %dma_wait3A_79 = tpu.memref_squeeze %dma_wait3A_78 : memref<1x50x128xi32, #tpu.memory_space<hbm>> -> memref<50x128xi32, #tpu.memory_space<hbm>>
      %dma_wait3A_80 = arith.constant 0 : i32
      %dma_wait3A_81 = arith.constant 0 : i32
      %dma_wait3A_82 = tpu.memref_slice %arg2[%add3A, %dma_wait3A_80, %dma_wait3A_81] : memref<32x50x128xi32, #tpu.memory_space<hbm>> -> memref<1x50x128xi32, #tpu.memory_space<hbm>>
      %dma_wait3A_83 = tpu.memref_squeeze %dma_wait3A_82 : memref<1x50x128xi32, #tpu.memory_space<hbm>> -> memref<50x128xi32, #tpu.memory_space<hbm>>
      tpu.wait_dma2 semaphore(%run_scoped3A : memref<!tpu.dma_semaphore, #tpu.memory_space<semaphore_mem>>) src(%dma_wait3A_83 : memref<50x128xi32, #tpu.memory_space<hbm>>) dst(%arg5 : memref<50x128xi32, #tpu.memory_space<vmem>>)
      tpu.yield
    }) : () -> ()
    %mul3A_1 = arith.constant 6400 : i32
    %mul3A_2 = arith.muli %add3A, %mul3A_1 : i32
    %dma_start3A = arith.constant 0 : i32
    %dma_start3A_3 = arith.constant 0 : i32
    %dma_start3A_4 = arith.constant 0 : i32
    %dma_start3A_5 = tpu.memref_slice %arg6[%dma_start3A_3, %dma_start3A_4] : memref<640x64xf32, #tpu.memory_space<vmem>> -> memref<128x64xf32, #tpu.memory_space<vmem>>
    %dma_start3A_6 = arith.constant 0 : i32
    %dma_start3A_7 = tpu.memref_slice %arg5[%dma_start3A, %dma_start3A_6] : memref<50x128xi32, #tpu.memory_space<vmem>> -> memref<1x128xi32, #tpu.memory_space<vmem>>
    %dma_start3A_8 = tpu.memref_squeeze %dma_start3A_7 : memref<1x128xi32, #tpu.memory_space<vmem>> -> memref<128xi32, #tpu.memory_space<vmem>>
    %dma_start3A_9 = arith.constant 0 : i32
    %dma_start3A_10 = arith.constant 0 : i32
    %dma_start3A_11 = tpu.memref_slice %arg3[%dma_start3A_9, %dma_start3A_10] : memref<1000000x64xf32, #tpu.memory_space<hbm>> -> memref<1000000x64xf32, #tpu.memory_space<hbm>>
    tpu.enqueue_indirect_dma source(%dma_start3A_11 : memref<1000000x64xf32, #tpu.memory_space<hbm>>) target(%dma_start3A_5 : memref<128x64xf32, #tpu.memory_space<vmem>>) offsets(%dma_start3A_8 : memref<128xi32, #tpu.memory_space<vmem>>) semaphore(%arg8 : memref<!tpu.dma_semaphore, #tpu.memory_space<semaphore_mem>>)
    %dma_start3A_12 = arith.constant 1 : i32
    %dma_start3A_13 = arith.constant 128 : i32
    %dma_start3A_14 = arith.constant 0 : i32
    %dma_start3A_15 = tpu.memref_slice %arg6[%dma_start3A_13, %dma_start3A_14] : memref<640x64xf32, #tpu.memory_space<vmem>> -> memref<128x64xf32, #tpu.memory_space<vmem>>
    %dma_start3A_16 = arith.constant 0 : i32
    %dma_start3A_17 = tpu.memref_slice %arg5[%dma_start3A_12, %dma_start3A_16] : memref<50x128xi32, #tpu.memory_space<vmem>> -> memref<1x128xi32, #tpu.memory_space<vmem>>
    %dma_start3A_18 = tpu.memref_squeeze %dma_start3A_17 : memref<1x128xi32, #tpu.memory_space<vmem>> -> memref<128xi32, #tpu.memory_space<vmem>>
    %dma_start3A_19 = arith.constant 0 : i32
    %dma_start3A_20 = arith.constant 0 : i32
    %dma_start3A_21 = tpu.memref_slice %arg3[%dma_start3A_19, %dma_start3A_20] : memref<1000000x64xf32, #tpu.memory_space<hbm>> -> memref<1000000x64xf32, #tpu.memory_space<hbm>>
    tpu.enqueue_indirect_dma source(%dma_start3A_21 : memref<1000000x64xf32, #tpu.memory_space<hbm>>) target(%dma_start3A_15 : memref<128x64xf32, #tpu.memory_space<vmem>>) offsets(%dma_start3A_18 : memref<128xi32, #tpu.memory_space<vmem>>) semaphore(%arg8 : memref<!tpu.dma_semaphore, #tpu.memory_space<semaphore_mem>>)
    %dma_start3A_22 = arith.constant 2 : i32
    %dma_start3A_23 = arith.constant 256 : i32
    %dma_start3A_24 = arith.constant 0 : i32
    %dma_start3A_25 = tpu.memref_slice %arg6[%dma_start3A_23, %dma_start3A_24] : memref<640x64xf32, #tpu.memory_space<vmem>> -> memref<128x64xf32, #tpu.memory_space<vmem>>
    %dma_start3A_26 = arith.constant 0 : i32
    %dma_start3A_27 = tpu.memref_slice %arg5[%dma_start3A_22, %dma_start3A_26] : memref<50x128xi32, #tpu.memory_space<vmem>> -> memref<1x128xi32, #tpu.memory_space<vmem>>
    %dma_start3A_28 = tpu.memref_squeeze %dma_start3A_27 : memref<1x128xi32, #tpu.memory_space<vmem>> -> memref<128xi32, #tpu.memory_space<vmem>>
    %dma_start3A_29 = arith.constant 0 : i32
    %dma_start3A_30 = arith.constant 0 : i32
    %dma_start3A_31 = tpu.memref_slice %arg3[%dma_start3A_29, %dma_start3A_30] : memref<1000000x64xf32, #tpu.memory_space<hbm>> -> memref<1000000x64xf32, #tpu.memory_space<hbm>>
    tpu.enqueue_indirect_dma source(%dma_start3A_31 : memref<1000000x64xf32, #tpu.memory_space<hbm>>) target(%dma_start3A_25 : memref<128x64xf32, #tpu.memory_space<vmem>>) offsets(%dma_start3A_28 : memref<128xi32, #tpu.memory_space<vmem>>) semaphore(%arg8 : memref<!tpu.dma_semaphore, #tpu.memory_space<semaphore_mem>>)
    %dma_start3A_32 = arith.constant 3 : i32
    %dma_start3A_33 = arith.constant 384 : i32
    %dma_start3A_34 = arith.constant 0 : i32
    %dma_start3A_35 = tpu.memref_slice %arg6[%dma_start3A_33, %dma_start3A_34] : memref<640x64xf32, #tpu.memory_space<vmem>> -> memref<128x64xf32, #tpu.memory_space<vmem>>
    %dma_start3A_36 = arith.constant 0 : i32
    %dma_start3A_37 = tpu.memref_slice %arg5[%dma_start3A_32, %dma_start3A_36] : memref<50x128xi32, #tpu.memory_space<vmem>> -> memref<1x128xi32, #tpu.memory_space<vmem>>
    %dma_start3A_38 = tpu.memref_squeeze %dma_start3A_37 : memref<1x128xi32, #tpu.memory_space<vmem>> -> memref<128xi32, #tpu.memory_space<vmem>>
    %dma_start3A_39 = arith.constant 0 : i32
    %dma_start3A_40 = arith.constant 0 : i32
    %dma_start3A_41 = tpu.memref_slice %arg3[%dma_start3A_39, %dma_start3A_40] : memref<1000000x64xf32, #tpu.memory_space<hbm>> -> memref<1000000x64xf32, #tpu.memory_space<hbm>>
    tpu.enqueue_indirect_dma source(%dma_start3A_41 : memref<1000000x64xf32, #tpu.memory_space<hbm>>) target(%dma_start3A_35 : memref<128x64xf32, #tpu.memory_space<vmem>>) offsets(%dma_start3A_38 : memref<128xi32, #tpu.memory_space<vmem>>) semaphore(%arg8 : memref<!tpu.dma_semaphore, #tpu.memory_space<semaphore_mem>>)
    %dma_start3A_42 = arith.constant 4 : i32
    %dma_start3A_43 = arith.constant 512 : i32
    %dma_start3A_44 = arith.constant 0 : i32
    %dma_start3A_45 = tpu.memref_slice %arg6[%dma_start3A_43, %dma_start3A_44] : memref<640x64xf32, #tpu.memory_space<vmem>> -> memref<128x64xf32, #tpu.memory_space<vmem>>
    %dma_start3A_46 = arith.constant 0 : i32
    %dma_start3A_47 = tpu.memref_slice %arg5[%dma_start3A_42, %dma_start3A_46] : memref<50x128xi32, #tpu.memory_space<vmem>> -> memref<1x128xi32, #tpu.memory_space<vmem>>
    %dma_start3A_48 = tpu.memref_squeeze %dma_start3A_47 : memref<1x128xi32, #tpu.memory_space<vmem>> -> memref<128xi32, #tpu.memory_space<vmem>>
    %dma_start3A_49 = arith.constant 0 : i32
    %dma_start3A_50 = arith.constant 0 : i32
    %dma_start3A_51 = tpu.memref_slice %arg3[%dma_start3A_49, %dma_start3A_50] : memref<1000000x64xf32, #tpu.memory_space<hbm>> -> memref<1000000x64xf32, #tpu.memory_space<hbm>>
    tpu.enqueue_indirect_dma source(%dma_start3A_51 : memref<1000000x64xf32, #tpu.memory_space<hbm>>) target(%dma_start3A_45 : memref<128x64xf32, #tpu.memory_space<vmem>>) offsets(%dma_start3A_48 : memref<128xi32, #tpu.memory_space<vmem>>) semaphore(%arg8 : memref<!tpu.dma_semaphore, #tpu.memory_space<semaphore_mem>>)
    %scan3A = arith.constant 0 : i32
    %scan3A_52 = arith.constant 0 : i32
    %scan3A_53 = arith.constant 5 : i32
    %scan3A_54 = arith.addi %scan3A_52, %scan3A_53 : i32
    %scan3A_55 = arith.constant 1 : i32
    scf.for %scan3A_68 = %scan3A_52 to %scan3A_54 step %scan3A_55  : i32 {
      %mul3A_69 = arith.constant 2 : i32
      %mul3A_70 = arith.muli %mul3A_69, %scan3A_68 : i32
      %add3A_71 = arith.constant 1 : i32
      %add3A_72 = arith.addi %mul3A_70, %add3A_71 : i32
      %mul3A_73 = arith.constant 5 : i32
      %mul3A_74 = arith.muli %mul3A_70, %mul3A_73 : i32
      %add3A_75 = arith.constant 0 : i32
      %add3A_76 = arith.addi %mul3A_74, %add3A_75 : i32
      %dma_wait3A_77 = arith.constant 0 : i32
      %dma_wait3A_78 = arith.constant 0 : i32
      %dma_wait3A_79 = tpu.memref_slice %arg6[%dma_wait3A_77, %dma_wait3A_78] : memref<640x64xf32, #tpu.memory_space<vmem>> -> memref<128x64xf32, #tpu.memory_space<vmem>>
      %dma_wait3A_80 = arith.constant 0 : i32
      %dma_wait3A_81 = tpu.memref_slice %arg5[%add3A_76, %dma_wait3A_80] : memref<50x128xi32, #tpu.memory_space<vmem>> -> memref<1x128xi32, #tpu.memory_space<vmem>>
      %dma_wait3A_82 = tpu.memref_squeeze %dma_wait3A_81 : memref<1x128xi32, #tpu.memory_space<vmem>> -> memref<128xi32, #tpu.memory_space<vmem>>
      %dma_wait3A_83 = arith.constant 0 : i32
      %dma_wait3A_84 = arith.constant 0 : i32
      %dma_wait3A_85 = tpu.memref_slice %arg3[%dma_wait3A_83, %dma_wait3A_84] : memref<1000000x64xf32, #tpu.memory_space<hbm>> -> memref<1000000x64xf32, #tpu.memory_space<hbm>>
      tpu.wait_indirect_dma semaphore(%arg8 : memref<!tpu.dma_semaphore, #tpu.memory_space<semaphore_mem>>) src(%dma_wait3A_85 : memref<1000000x64xf32, #tpu.memory_space<hbm>>) dst(%dma_wait3A_79 : memref<128x64xf32, #tpu.memory_space<vmem>>)
      %mul3A_86 = arith.constant 5 : i32
      %mul3A_87 = arith.muli %mul3A_70, %mul3A_86 : i32
      %add3A_88 = arith.constant 1 : i32
      %add3A_89 = arith.addi %mul3A_87, %add3A_88 : i32
      %dma_wait3A_90 = arith.constant 128 : i32
      %dma_wait3A_91 = arith.constant 0 : i32
      %dma_wait3A_92 = tpu.memref_slice %arg6[%dma_wait3A_90, %dma_wait3A_91] : memref<640x64xf32, #tpu.memory_space<vmem>> -> memref<128x64xf32, #tpu.memory_space<vmem>>
      %dma_wait3A_93 = arith.constant 0 : i32
      %dma_wait3A_94 = tpu.memref_slice %arg5[%add3A_89, %dma_wait3A_93] : memref<50x128xi32, #tpu.memory_space<vmem>> -> memref<1x128xi32, #tpu.memory_space<vmem>>
      %dma_wait3A_95 = tpu.memref_squeeze %dma_wait3A_94 : memref<1x128xi32, #tpu.memory_space<vmem>> -> memref<128xi32, #tpu.memory_space<vmem>>
      %dma_wait3A_96 = arith.constant 0 : i32
      %dma_wait3A_97 = arith.constant 0 : i32
      %dma_wait3A_98 = tpu.memref_slice %arg3[%dma_wait3A_96, %dma_wait3A_97] : memref<1000000x64xf32, #tpu.memory_space<hbm>> -> memref<1000000x64xf32, #tpu.memory_space<hbm>>
      tpu.wait_indirect_dma semaphore(%arg8 : memref<!tpu.dma_semaphore, #tpu.memory_space<semaphore_mem>>) src(%dma_wait3A_98 : memref<1000000x64xf32, #tpu.memory_space<hbm>>) dst(%dma_wait3A_92 : memref<128x64xf32, #tpu.memory_space<vmem>>)
      %mul3A_99 = arith.constant 5 : i32
      %mul3A_100 = arith.muli %mul3A_70, %mul3A_99 : i32
      %add3A_101 = arith.constant 2 : i32
      %add3A_102 = arith.addi %mul3A_100, %add3A_101 : i32
      %dma_wait3A_103 = arith.constant 256 : i32
      %dma_wait3A_104 = arith.constant 0 : i32
      %dma_wait3A_105 = tpu.memref_slice %arg6[%dma_wait3A_103, %dma_wait3A_104] : memref<640x64xf32, #tpu.memory_space<vmem>> -> memref<128x64xf32, #tpu.memory_space<vmem>>
      %dma_wait3A_106 = arith.constant 0 : i32
      %dma_wait3A_107 = tpu.memref_slice %arg5[%add3A_102, %dma_wait3A_106] : memref<50x128xi32, #tpu.memory_space<vmem>> -> memref<1x128xi32, #tpu.memory_space<vmem>>
      %dma_wait3A_108 = tpu.memref_squeeze %dma_wait3A_107 : memref<1x128xi32, #tpu.memory_space<vmem>> -> memref<128xi32, #tpu.memory_space<vmem>>
      %dma_wait3A_109 = arith.constant 0 : i32
      %dma_wait3A_110 = arith.constant 0 : i32
      %dma_wait3A_111 = tpu.memref_slice %arg3[%dma_wait3A_109, %dma_wait3A_110] : memref<1000000x64xf32, #tpu.memory_space<hbm>> -> memref<1000000x64xf32, #tpu.memory_space<hbm>>
      tpu.wait_indirect_dma semaphore(%arg8 : memref<!tpu.dma_semaphore, #tpu.memory_space<semaphore_mem>>) src(%dma_wait3A_111 : memref<1000000x64xf32, #tpu.memory_space<hbm>>) dst(%dma_wait3A_105 : memref<128x64xf32, #tpu.memory_space<vmem>>)
      %mul3A_112 = arith.constant 5 : i32
      %mul3A_113 = arith.muli %mul3A_70, %mul3A_112 : i32
      %add3A_114 = arith.constant 3 : i32
      %add3A_115 = arith.addi %mul3A_113, %add3A_114 : i32
      %dma_wait3A_116 = arith.constant 384 : i32
      %dma_wait3A_117 = arith.constant 0 : i32
      %dma_wait3A_118 = tpu.memref_slice %arg6[%dma_wait3A_116, %dma_wait3A_117] : memref<640x64xf32, #tpu.memory_space<vmem>> -> memref<128x64xf32, #tpu.memory_space<vmem>>
      %dma_wait3A_119 = arith.constant 0 : i32
      %dma_wait3A_120 = tpu.memref_slice %arg5[%add3A_115, %dma_wait3A_119] : memref<50x128xi32, #tpu.memory_space<vmem>> -> memref<1x128xi32, #tpu.memory_space<vmem>>
      %dma_wait3A_121 = tpu.memref_squeeze %dma_wait3A_120 : memref<1x128xi32, #tpu.memory_space<vmem>> -> memref<128xi32, #tpu.memory_space<vmem>>
      %dma_wait3A_122 = arith.constant 0 : i32
      %dma_wait3A_123 = arith.constant 0 : i32
      %dma_wait3A_124 = tpu.memref_slice %arg3[%dma_wait3A_122, %dma_wait3A_123] : memref<1000000x64xf32, #tpu.memory_space<hbm>> -> memref<1000000x64xf32, #tpu.memory_space<hbm>>
      tpu.wait_indirect_dma semaphore(%arg8 : memref<!tpu.dma_semaphore, #tpu.memory_space<semaphore_mem>>) src(%dma_wait3A_124 : memref<1000000x64xf32, #tpu.memory_space<hbm>>) dst(%dma_wait3A_118 : memref<128x64xf32, #tpu.memory_space<vmem>>)
      %mul3A_125 = arith.constant 5 : i32
      %mul3A_126 = arith.muli %mul3A_70, %mul3A_125 : i32
      %add3A_127 = arith.constant 4 : i32
      %add3A_128 = arith.addi %mul3A_126, %add3A_127 : i32
      %dma_wait3A_129 = arith.constant 512 : i32
      %dma_wait3A_130 = arith.constant 0 : i32
      %dma_wait3A_131 = tpu.memref_slice %arg6[%dma_wait3A_129, %dma_wait3A_130] : memref<640x64xf32, #tpu.memory_space<vmem>> -> memref<128x64xf32, #tpu.memory_space<vmem>>
      %dma_wait3A_132 = arith.constant 0 : i32
      %dma_wait3A_133 = tpu.memref_slice %arg5[%add3A_128, %dma_wait3A_132] : memref<50x128xi32, #tpu.memory_space<vmem>> -> memref<1x128xi32, #tpu.memory_space<vmem>>
      %dma_wait3A_134 = tpu.memref_squeeze %dma_wait3A_133 : memref<1x128xi32, #tpu.memory_space<vmem>> -> memref<128xi32, #tpu.memory_space<vmem>>
      %dma_wait3A_135 = arith.constant 0 : i32
      %dma_wait3A_136 = arith.constant 0 : i32
      %dma_wait3A_137 = tpu.memref_slice %arg3[%dma_wait3A_135, %dma_wait3A_136] : memref<1000000x64xf32, #tpu.memory_space<hbm>> -> memref<1000000x64xf32, #tpu.memory_space<hbm>>
      tpu.wait_indirect_dma semaphore(%arg8 : memref<!tpu.dma_semaphore, #tpu.memory_space<semaphore_mem>>) src(%dma_wait3A_137 : memref<1000000x64xf32, #tpu.memory_space<hbm>>) dst(%dma_wait3A_131 : memref<128x64xf32, #tpu.memory_space<vmem>>)
      %mul3A_138 = arith.constant 640 : i32
      %mul3A_139 = arith.muli %mul3A_70, %mul3A_138 : i32
      %add3A_140 = arith.addi %mul3A_2, %mul3A_139 : i32
      %dma_start3A_141 = arith.constant 0 : i32
      %dma_start3A_142 = tpu.memref_slice %arg4[%add3A_140, %dma_start3A_141] : memref<204800x64xf32, #tpu.memory_space<hbm>> -> memref<640x64xf32, #tpu.memory_space<hbm>>
      %dma_start3A_143 = arith.constant 0 : i32
      %dma_start3A_144 = tpu.memref_slice %arg4[%add3A_140, %dma_start3A_143] : memref<204800x64xf32, #tpu.memory_space<hbm>> -> memref<640x64xf32, #tpu.memory_space<hbm>>
      tpu.enqueue_dma source(%arg6 : memref<640x64xf32, #tpu.memory_space<vmem>>) target(%dma_start3A_144 : memref<640x64xf32, #tpu.memory_space<hbm>>) target_semaphore(%arg10 : memref<!tpu.dma_semaphore, #tpu.memory_space<semaphore_mem>>)
      %gt3A = arith.constant 0 : i32
      %gt3A_145 = arith.cmpi sgt, %scan3A_68, %gt3A : i32
      %convert_element_type3A = arith.extui %gt3A_145 : i1 to i32
      %cond3A = arith.constant 0 : i32
      %cond3A_146 = arith.cmpi ne, %convert_element_type3A, %cond3A : i32
      scf.if %cond3A_146 {
        %sub3A = arith.constant 1 : i32
        %sub3A_288 = arith.subi %mul3A_70, %sub3A : i32
        %mul3A_289 = arith.constant 640 : i32
        %mul3A_290 = arith.muli %sub3A_288, %mul3A_289 : i32
        %add3A_291 = arith.addi %mul3A_2, %mul3A_290 : i32
        %dma_wait3A_292 = arith.constant 0 : i32
        %dma_wait3A_293 = tpu.memref_slice %arg4[%add3A_291, %dma_wait3A_292] : memref<204800x64xf32, #tpu.memory_space<hbm>> -> memref<640x64xf32, #tpu.memory_space<hbm>>
        %dma_wait3A_294 = arith.constant 0 : i32
        %dma_wait3A_295 = tpu.memref_slice %arg4[%add3A_291, %dma_wait3A_294] : memref<204800x64xf32, #tpu.memory_space<hbm>> -> memref<640x64xf32, #tpu.memory_space<hbm>>
        tpu.wait_dma2 semaphore(%arg11 : memref<!tpu.dma_semaphore, #tpu.memory_space<semaphore_mem>>) src(%arg7 : memref<640x64xf32, #tpu.memory_space<vmem>>) dst(%dma_wait3A_295 : memref<640x64xf32, #tpu.memory_space<hbm>>)
      } else {
      }
      %mul3A_147 = arith.constant 5 : i32
      %mul3A_148 = arith.muli %add3A_72, %mul3A_147 : i32
      %add3A_149 = arith.constant 0 : i32
      %add3A_150 = arith.addi %mul3A_148, %add3A_149 : i32
      %dma_start3A_151 = arith.constant 0 : i32
      %dma_start3A_152 = arith.constant 0 : i32
      %dma_start3A_153 = tpu.memref_slice %arg7[%dma_start3A_151, %dma_start3A_152] : memref<640x64xf32, #tpu.memory_space<vmem>> -> memref<128x64xf32, #tpu.memory_space<vmem>>
      %dma_start3A_154 = arith.constant 0 : i32
      %dma_start3A_155 = tpu.memref_slice %arg5[%add3A_150, %dma_start3A_154] : memref<50x128xi32, #tpu.memory_space<vmem>> -> memref<1x128xi32, #tpu.memory_space<vmem>>
      %dma_start3A_156 = tpu.memref_squeeze %dma_start3A_155 : memref<1x128xi32, #tpu.memory_space<vmem>> -> memref<128xi32, #tpu.memory_space<vmem>>
      %dma_start3A_157 = arith.constant 0 : i32
      %dma_start3A_158 = arith.constant 0 : i32
      %dma_start3A_159 = tpu.memref_slice %arg3[%dma_start3A_157, %dma_start3A_158] : memref<1000000x64xf32, #tpu.memory_space<hbm>> -> memref<1000000x64xf32, #tpu.memory_space<hbm>>
      tpu.enqueue_indirect_dma source(%dma_start3A_159 : memref<1000000x64xf32, #tpu.memory_space<hbm>>) target(%dma_start3A_153 : memref<128x64xf32, #tpu.memory_space<vmem>>) offsets(%dma_start3A_156 : memref<128xi32, #tpu.memory_space<vmem>>) semaphore(%arg9 : memref<!tpu.dma_semaphore, #tpu.memory_space<semaphore_mem>>)
      %mul3A_160 = arith.constant 5 : i32
      %mul3A_161 = arith.muli %add3A_72, %mul3A_160 : i32
      %add3A_162 = arith.constant 1 : i32
      %add3A_163 = arith.addi %mul3A_161, %add3A_162 : i32
      %dma_start3A_164 = arith.constant 128 : i32
      %dma_start3A_165 = arith.constant 0 : i32
      %dma_start3A_166 = tpu.memref_slice %arg7[%dma_start3A_164, %dma_start3A_165] : memref<640x64xf32, #tpu.memory_space<vmem>> -> memref<128x64xf32, #tpu.memory_space<vmem>>
      %dma_start3A_167 = arith.constant 0 : i32
      %dma_start3A_168 = tpu.memref_slice %arg5[%add3A_163, %dma_start3A_167] : memref<50x128xi32, #tpu.memory_space<vmem>> -> memref<1x128xi32, #tpu.memory_space<vmem>>
      %dma_start3A_169 = tpu.memref_squeeze %dma_start3A_168 : memref<1x128xi32, #tpu.memory_space<vmem>> -> memref<128xi32, #tpu.memory_space<vmem>>
      %dma_start3A_170 = arith.constant 0 : i32
      %dma_start3A_171 = arith.constant 0 : i32
      %dma_start3A_172 = tpu.memref_slice %arg3[%dma_start3A_170, %dma_start3A_171] : memref<1000000x64xf32, #tpu.memory_space<hbm>> -> memref<1000000x64xf32, #tpu.memory_space<hbm>>
      tpu.enqueue_indirect_dma source(%dma_start3A_172 : memref<1000000x64xf32, #tpu.memory_space<hbm>>) target(%dma_start3A_166 : memref<128x64xf32, #tpu.memory_space<vmem>>) offsets(%dma_start3A_169 : memref<128xi32, #tpu.memory_space<vmem>>) semaphore(%arg9 : memref<!tpu.dma_semaphore, #tpu.memory_space<semaphore_mem>>)
      %mul3A_173 = arith.constant 5 : i32
      %mul3A_174 = arith.muli %add3A_72, %mul3A_173 : i32
      %add3A_175 = arith.constant 2 : i32
      %add3A_176 = arith.addi %mul3A_174, %add3A_175 : i32
      %dma_start3A_177 = arith.constant 256 : i32
      %dma_start3A_178 = arith.constant 0 : i32
      %dma_start3A_179 = tpu.memref_slice %arg7[%dma_start3A_177, %dma_start3A_178] : memref<640x64xf32, #tpu.memory_space<vmem>> -> memref<128x64xf32, #tpu.memory_space<vmem>>
      %dma_start3A_180 = arith.constant 0 : i32
      %dma_start3A_181 = tpu.memref_slice %arg5[%add3A_176, %dma_start3A_180] : memref<50x128xi32, #tpu.memory_space<vmem>> -> memref<1x128xi32, #tpu.memory_space<vmem>>
      %dma_start3A_182 = tpu.memref_squeeze %dma_start3A_181 : memref<1x128xi32, #tpu.memory_space<vmem>> -> memref<128xi32, #tpu.memory_space<vmem>>
      %dma_start3A_183 = arith.constant 0 : i32
      %dma_start3A_184 = arith.constant 0 : i32
      %dma_start3A_185 = tpu.memref_slice %arg3[%dma_start3A_183, %dma_start3A_184] : memref<1000000x64xf32, #tpu.memory_space<hbm>> -> memref<1000000x64xf32, #tpu.memory_space<hbm>>
      tpu.enqueue_indirect_dma source(%dma_start3A_185 : memref<1000000x64xf32, #tpu.memory_space<hbm>>) target(%dma_start3A_179 : memref<128x64xf32, #tpu.memory_space<vmem>>) offsets(%dma_start3A_182 : memref<128xi32, #tpu.memory_space<vmem>>) semaphore(%arg9 : memref<!tpu.dma_semaphore, #tpu.memory_space<semaphore_mem>>)
      %mul3A_186 = arith.constant 5 : i32
      %mul3A_187 = arith.muli %add3A_72, %mul3A_186 : i32
      %add3A_188 = arith.constant 3 : i32
      %add3A_189 = arith.addi %mul3A_187, %add3A_188 : i32
      %dma_start3A_190 = arith.constant 384 : i32
      %dma_start3A_191 = arith.constant 0 : i32
      %dma_start3A_192 = tpu.memref_slice %arg7[%dma_start3A_190, %dma_start3A_191] : memref<640x64xf32, #tpu.memory_space<vmem>> -> memref<128x64xf32, #tpu.memory_space<vmem>>
      %dma_start3A_193 = arith.constant 0 : i32
      %dma_start3A_194 = tpu.memref_slice %arg5[%add3A_189, %dma_start3A_193] : memref<50x128xi32, #tpu.memory_space<vmem>> -> memref<1x128xi32, #tpu.memory_space<vmem>>
      %dma_start3A_195 = tpu.memref_squeeze %dma_start3A_194 : memref<1x128xi32, #tpu.memory_space<vmem>> -> memref<128xi32, #tpu.memory_space<vmem>>
      %dma_start3A_196 = arith.constant 0 : i32
      %dma_start3A_197 = arith.constant 0 : i32
      %dma_start3A_198 = tpu.memref_slice %arg3[%dma_start3A_196, %dma_start3A_197] : memref<1000000x64xf32, #tpu.memory_space<hbm>> -> memref<1000000x64xf32, #tpu.memory_space<hbm>>
      tpu.enqueue_indirect_dma source(%dma_start3A_198 : memref<1000000x64xf32, #tpu.memory_space<hbm>>) target(%dma_start3A_192 : memref<128x64xf32, #tpu.memory_space<vmem>>) offsets(%dma_start3A_195 : memref<128xi32, #tpu.memory_space<vmem>>) semaphore(%arg9 : memref<!tpu.dma_semaphore, #tpu.memory_space<semaphore_mem>>)
      %mul3A_199 = arith.constant 5 : i32
      %mul3A_200 = arith.muli %add3A_72, %mul3A_199 : i32
      %add3A_201 = arith.constant 4 : i32
      %add3A_202 = arith.addi %mul3A_200, %add3A_201 : i32
      %dma_start3A_203 = arith.constant 512 : i32
      %dma_start3A_204 = arith.constant 0 : i32
      %dma_start3A_205 = tpu.memref_slice %arg7[%dma_start3A_203, %dma_start3A_204] : memref<640x64xf32, #tpu.memory_space<vmem>> -> memref<128x64xf32, #tpu.memory_space<vmem>>
      %dma_start3A_206 = arith.constant 0 : i32
      %dma_start3A_207 = tpu.memref_slice %arg5[%add3A_202, %dma_start3A_206] : memref<50x128xi32, #tpu.memory_space<vmem>> -> memref<1x128xi32, #tpu.memory_space<vmem>>
      %dma_start3A_208 = tpu.memref_squeeze %dma_start3A_207 : memref<1x128xi32, #tpu.memory_space<vmem>> -> memref<128xi32, #tpu.memory_space<vmem>>
      %dma_start3A_209 = arith.constant 0 : i32
      %dma_start3A_210 = arith.constant 0 : i32
      %dma_start3A_211 = tpu.memref_slice %arg3[%dma_start3A_209, %dma_start3A_210] : memref<1000000x64xf32, #tpu.memory_space<hbm>> -> memref<1000000x64xf32, #tpu.memory_space<hbm>>
      tpu.enqueue_indirect_dma source(%dma_start3A_211 : memref<1000000x64xf32, #tpu.memory_space<hbm>>) target(%dma_start3A_205 : memref<128x64xf32, #tpu.memory_space<vmem>>) offsets(%dma_start3A_208 : memref<128xi32, #tpu.memory_space<vmem>>) semaphore(%arg9 : memref<!tpu.dma_semaphore, #tpu.memory_space<semaphore_mem>>)
      %mul3A_212 = arith.constant 5 : i32
      %mul3A_213 = arith.muli %add3A_72, %mul3A_212 : i32
      %add3A_214 = arith.constant 0 : i32
      %add3A_215 = arith.addi %mul3A_213, %add3A_214 : i32
      %dma_wait3A_216 = arith.constant 0 : i32
      %dma_wait3A_217 = arith.constant 0 : i32
      %dma_wait3A_218 = tpu.memref_slice %arg7[%dma_wait3A_216, %dma_wait3A_217] : memref<640x64xf32, #tpu.memory_space<vmem>> -> memref<128x64xf32, #tpu.memory_space<vmem>>
      %dma_wait3A_219 = arith.constant 0 : i32
      %dma_wait3A_220 = tpu.memref_slice %arg5[%add3A_215, %dma_wait3A_219] : memref<50x128xi32, #tpu.memory_space<vmem>> -> memref<1x128xi32, #tpu.memory_space<vmem>>
      %dma_wait3A_221 = tpu.memref_squeeze %dma_wait3A_220 : memref<1x128xi32, #tpu.memory_space<vmem>> -> memref<128xi32, #tpu.memory_space<vmem>>
      %dma_wait3A_222 = arith.constant 0 : i32
      %dma_wait3A_223 = arith.constant 0 : i32
      %dma_wait3A_224 = tpu.memref_slice %arg3[%dma_wait3A_222, %dma_wait3A_223] : memref<1000000x64xf32, #tpu.memory_space<hbm>> -> memref<1000000x64xf32, #tpu.memory_space<hbm>>
      tpu.wait_indirect_dma semaphore(%arg9 : memref<!tpu.dma_semaphore, #tpu.memory_space<semaphore_mem>>) src(%dma_wait3A_224 : memref<1000000x64xf32, #tpu.memory_space<hbm>>) dst(%dma_wait3A_218 : memref<128x64xf32, #tpu.memory_space<vmem>>)
      %mul3A_225 = arith.constant 5 : i32
      %mul3A_226 = arith.muli %add3A_72, %mul3A_225 : i32
      %add3A_227 = arith.constant 1 : i32
      %add3A_228 = arith.addi %mul3A_226, %add3A_227 : i32
      %dma_wait3A_229 = arith.constant 128 : i32
      %dma_wait3A_230 = arith.constant 0 : i32
      %dma_wait3A_231 = tpu.memref_slice %arg7[%dma_wait3A_229, %dma_wait3A_230] : memref<640x64xf32, #tpu.memory_space<vmem>> -> memref<128x64xf32, #tpu.memory_space<vmem>>
      %dma_wait3A_232 = arith.constant 0 : i32
      %dma_wait3A_233 = tpu.memref_slice %arg5[%add3A_228, %dma_wait3A_232] : memref<50x128xi32, #tpu.memory_space<vmem>> -> memref<1x128xi32, #tpu.memory_space<vmem>>
      %dma_wait3A_234 = tpu.memref_squeeze %dma_wait3A_233 : memref<1x128xi32, #tpu.memory_space<vmem>> -> memref<128xi32, #tpu.memory_space<vmem>>
      %dma_wait3A_235 = arith.constant 0 : i32
      %dma_wait3A_236 = arith.constant 0 : i32
      %dma_wait3A_237 = tpu.memref_slice %arg3[%dma_wait3A_235, %dma_wait3A_236] : memref<1000000x64xf32, #tpu.memory_space<hbm>> -> memref<1000000x64xf32, #tpu.memory_space<hbm>>
      tpu.wait_indirect_dma semaphore(%arg9 : memref<!tpu.dma_semaphore, #tpu.memory_space<semaphore_mem>>) src(%dma_wait3A_237 : memref<1000000x64xf32, #tpu.memory_space<hbm>>) dst(%dma_wait3A_231 : memref<128x64xf32, #tpu.memory_space<vmem>>)
      %mul3A_238 = arith.constant 5 : i32
      %mul3A_239 = arith.muli %add3A_72, %mul3A_238 : i32
      %add3A_240 = arith.constant 2 : i32
      %add3A_241 = arith.addi %mul3A_239, %add3A_240 : i32
      %dma_wait3A_242 = arith.constant 256 : i32
      %dma_wait3A_243 = arith.constant 0 : i32
      %dma_wait3A_244 = tpu.memref_slice %arg7[%dma_wait3A_242, %dma_wait3A_243] : memref<640x64xf32, #tpu.memory_space<vmem>> -> memref<128x64xf32, #tpu.memory_space<vmem>>
      %dma_wait3A_245 = arith.constant 0 : i32
      %dma_wait3A_246 = tpu.memref_slice %arg5[%add3A_241, %dma_wait3A_245] : memref<50x128xi32, #tpu.memory_space<vmem>> -> memref<1x128xi32, #tpu.memory_space<vmem>>
      %dma_wait3A_247 = tpu.memref_squeeze %dma_wait3A_246 : memref<1x128xi32, #tpu.memory_space<vmem>> -> memref<128xi32, #tpu.memory_space<vmem>>
      %dma_wait3A_248 = arith.constant 0 : i32
      %dma_wait3A_249 = arith.constant 0 : i32
      %dma_wait3A_250 = tpu.memref_slice %arg3[%dma_wait3A_248, %dma_wait3A_249] : memref<1000000x64xf32, #tpu.memory_space<hbm>> -> memref<1000000x64xf32, #tpu.memory_space<hbm>>
      tpu.wait_indirect_dma semaphore(%arg9 : memref<!tpu.dma_semaphore, #tpu.memory_space<semaphore_mem>>) src(%dma_wait3A_250 : memref<1000000x64xf32, #tpu.memory_space<hbm>>) dst(%dma_wait3A_244 : memref<128x64xf32, #tpu.memory_space<vmem>>)
      %mul3A_251 = arith.constant 5 : i32
      %mul3A_252 = arith.muli %add3A_72, %mul3A_251 : i32
      %add3A_253 = arith.constant 3 : i32
      %add3A_254 = arith.addi %mul3A_252, %add3A_253 : i32
      %dma_wait3A_255 = arith.constant 384 : i32
      %dma_wait3A_256 = arith.constant 0 : i32
      %dma_wait3A_257 = tpu.memref_slice %arg7[%dma_wait3A_255, %dma_wait3A_256] : memref<640x64xf32, #tpu.memory_space<vmem>> -> memref<128x64xf32, #tpu.memory_space<vmem>>
      %dma_wait3A_258 = arith.constant 0 : i32
      %dma_wait3A_259 = tpu.memref_slice %arg5[%add3A_254, %dma_wait3A_258] : memref<50x128xi32, #tpu.memory_space<vmem>> -> memref<1x128xi32, #tpu.memory_space<vmem>>
      %dma_wait3A_260 = tpu.memref_squeeze %dma_wait3A_259 : memref<1x128xi32, #tpu.memory_space<vmem>> -> memref<128xi32, #tpu.memory_space<vmem>>
      %dma_wait3A_261 = arith.constant 0 : i32
      %dma_wait3A_262 = arith.constant 0 : i32
      %dma_wait3A_263 = tpu.memref_slice %arg3[%dma_wait3A_261, %dma_wait3A_262] : memref<1000000x64xf32, #tpu.memory_space<hbm>> -> memref<1000000x64xf32, #tpu.memory_space<hbm>>
      tpu.wait_indirect_dma semaphore(%arg9 : memref<!tpu.dma_semaphore, #tpu.memory_space<semaphore_mem>>) src(%dma_wait3A_263 : memref<1000000x64xf32, #tpu.memory_space<hbm>>) dst(%dma_wait3A_257 : memref<128x64xf32, #tpu.memory_space<vmem>>)
      %mul3A_264 = arith.constant 5 : i32
      %mul3A_265 = arith.muli %add3A_72, %mul3A_264 : i32
      %add3A_266 = arith.constant 4 : i32
      %add3A_267 = arith.addi %mul3A_265, %add3A_266 : i32
      %dma_wait3A_268 = arith.constant 512 : i32
      %dma_wait3A_269 = arith.constant 0 : i32
      %dma_wait3A_270 = tpu.memref_slice %arg7[%dma_wait3A_268, %dma_wait3A_269] : memref<640x64xf32, #tpu.memory_space<vmem>> -> memref<128x64xf32, #tpu.memory_space<vmem>>
      %dma_wait3A_271 = arith.constant 0 : i32
      %dma_wait3A_272 = tpu.memref_slice %arg5[%add3A_267, %dma_wait3A_271] : memref<50x128xi32, #tpu.memory_space<vmem>> -> memref<1x128xi32, #tpu.memory_space<vmem>>
      %dma_wait3A_273 = tpu.memref_squeeze %dma_wait3A_272 : memref<1x128xi32, #tpu.memory_space<vmem>> -> memref<128xi32, #tpu.memory_space<vmem>>
      %dma_wait3A_274 = arith.constant 0 : i32
      %dma_wait3A_275 = arith.constant 0 : i32
      %dma_wait3A_276 = tpu.memref_slice %arg3[%dma_wait3A_274, %dma_wait3A_275] : memref<1000000x64xf32, #tpu.memory_space<hbm>> -> memref<1000000x64xf32, #tpu.memory_space<hbm>>
      tpu.wait_indirect_dma semaphore(%arg9 : memref<!tpu.dma_semaphore, #tpu.memory_space<semaphore_mem>>) src(%dma_wait3A_276 : memref<1000000x64xf32, #tpu.memory_space<hbm>>) dst(%dma_wait3A_270 : memref<128x64xf32, #tpu.memory_space<vmem>>)
      %mul3A_277 = arith.constant 640 : i32
      %mul3A_278 = arith.muli %add3A_72, %mul3A_277 : i32
      %add3A_279 = arith.addi %mul3A_2, %mul3A_278 : i32
      %dma_start3A_280 = arith.constant 0 : i32
      %dma_start3A_281 = tpu.memref_slice %arg4[%add3A_279, %dma_start3A_280] : memref<204800x64xf32, #tpu.memory_space<hbm>> -> memref<640x64xf32, #tpu.memory_space<hbm>>
      %dma_start3A_282 = arith.constant 0 : i32
      %dma_start3A_283 = tpu.memref_slice %arg4[%add3A_279, %dma_start3A_282] : memref<204800x64xf32, #tpu.memory_space<hbm>> -> memref<640x64xf32, #tpu.memory_space<hbm>>
      tpu.enqueue_dma source(%arg7 : memref<640x64xf32, #tpu.memory_space<vmem>>) target(%dma_start3A_283 : memref<640x64xf32, #tpu.memory_space<hbm>>) target_semaphore(%arg11 : memref<!tpu.dma_semaphore, #tpu.memory_space<semaphore_mem>>)
      %lt3A = arith.constant 4 : i32
      %lt3A_284 = arith.cmpi slt, %scan3A_68, %lt3A : i32
      %convert_element_type3A_285 = arith.extui %lt3A_284 : i1 to i32
      %cond3A_286 = arith.constant 0 : i32
      %cond3A_287 = arith.cmpi ne, %convert_element_type3A_285, %cond3A_286 : i32
      scf.if %cond3A_287 {
        %mul3A_288 = arith.constant 640 : i32
        %mul3A_289 = arith.muli %mul3A_70, %mul3A_288 : i32
        %add3A_290 = arith.addi %mul3A_2, %mul3A_289 : i32
        %dma_wait3A_291 = arith.constant 0 : i32
        %dma_wait3A_292 = tpu.memref_slice %arg4[%add3A_290, %dma_wait3A_291] : memref<204800x64xf32, #tpu.memory_space<hbm>> -> memref<640x64xf32, #tpu.memory_space<hbm>>
        %dma_wait3A_293 = arith.constant 0 : i32
        %dma_wait3A_294 = tpu.memref_slice %arg4[%add3A_290, %dma_wait3A_293] : memref<204800x64xf32, #tpu.memory_space<hbm>> -> memref<640x64xf32, #tpu.memory_space<hbm>>
        tpu.wait_dma2 semaphore(%arg10 : memref<!tpu.dma_semaphore, #tpu.memory_space<semaphore_mem>>) src(%arg6 : memref<640x64xf32, #tpu.memory_space<vmem>>) dst(%dma_wait3A_294 : memref<640x64xf32, #tpu.memory_space<hbm>>)
        %add3A_295 = arith.constant 1 : i32
        %add3A_296 = arith.addi %add3A_72, %add3A_295 : i32
        %mul3A_297 = arith.constant 5 : i32
        %mul3A_298 = arith.muli %add3A_296, %mul3A_297 : i32
        %add3A_299 = arith.constant 0 : i32
        %add3A_300 = arith.addi %mul3A_298, %add3A_299 : i32
        %dma_start3A_301 = arith.constant 0 : i32
        %dma_start3A_302 = arith.constant 0 : i32
        %dma_start3A_303 = tpu.memref_slice %arg6[%dma_start3A_301, %dma_start3A_302] : memref<640x64xf32, #tpu.memory_space<vmem>> -> memref<128x64xf32, #tpu.memory_space<vmem>>
        %dma_start3A_304 = arith.constant 0 : i32
        %dma_start3A_305 = tpu.memref_slice %arg5[%add3A_300, %dma_start3A_304] : memref<50x128xi32, #tpu.memory_space<vmem>> -> memref<1x128xi32, #tpu.memory_space<vmem>>
        %dma_start3A_306 = tpu.memref_squeeze %dma_start3A_305 : memref<1x128xi32, #tpu.memory_space<vmem>> -> memref<128xi32, #tpu.memory_space<vmem>>
        %dma_start3A_307 = arith.constant 0 : i32
        %dma_start3A_308 = arith.constant 0 : i32
        %dma_start3A_309 = tpu.memref_slice %arg3[%dma_start3A_307, %dma_start3A_308] : memref<1000000x64xf32, #tpu.memory_space<hbm>> -> memref<1000000x64xf32, #tpu.memory_space<hbm>>
        tpu.enqueue_indirect_dma source(%dma_start3A_309 : memref<1000000x64xf32, #tpu.memory_space<hbm>>) target(%dma_start3A_303 : memref<128x64xf32, #tpu.memory_space<vmem>>) offsets(%dma_start3A_306 : memref<128xi32, #tpu.memory_space<vmem>>) semaphore(%arg8 : memref<!tpu.dma_semaphore, #tpu.memory_space<semaphore_mem>>)
        %mul3A_310 = arith.constant 5 : i32
        %mul3A_311 = arith.muli %add3A_296, %mul3A_310 : i32
        %add3A_312 = arith.constant 1 : i32
        %add3A_313 = arith.addi %mul3A_311, %add3A_312 : i32
        %dma_start3A_314 = arith.constant 128 : i32
        %dma_start3A_315 = arith.constant 0 : i32
        %dma_start3A_316 = tpu.memref_slice %arg6[%dma_start3A_314, %dma_start3A_315] : memref<640x64xf32, #tpu.memory_space<vmem>> -> memref<128x64xf32, #tpu.memory_space<vmem>>
        %dma_start3A_317 = arith.constant 0 : i32
        %dma_start3A_318 = tpu.memref_slice %arg5[%add3A_313, %dma_start3A_317] : memref<50x128xi32, #tpu.memory_space<vmem>> -> memref<1x128xi32, #tpu.memory_space<vmem>>
        %dma_start3A_319 = tpu.memref_squeeze %dma_start3A_318 : memref<1x128xi32, #tpu.memory_space<vmem>> -> memref<128xi32, #tpu.memory_space<vmem>>
        %dma_start3A_320 = arith.constant 0 : i32
        %dma_start3A_321 = arith.constant 0 : i32
        %dma_start3A_322 = tpu.memref_slice %arg3[%dma_start3A_320, %dma_start3A_321] : memref<1000000x64xf32, #tpu.memory_space<hbm>> -> memref<1000000x64xf32, #tpu.memory_space<hbm>>
        tpu.enqueue_indirect_dma source(%dma_start3A_322 : memref<1000000x64xf32, #tpu.memory_space<hbm>>) target(%dma_start3A_316 : memref<128x64xf32, #tpu.memory_space<vmem>>) offsets(%dma_start3A_319 : memref<128xi32, #tpu.memory_space<vmem>>) semaphore(%arg8 : memref<!tpu.dma_semaphore, #tpu.memory_space<semaphore_mem>>)
        %mul3A_323 = arith.constant 5 : i32
        %mul3A_324 = arith.muli %add3A_296, %mul3A_323 : i32
        %add3A_325 = arith.constant 2 : i32
        %add3A_326 = arith.addi %mul3A_324, %add3A_325 : i32
        %dma_start3A_327 = arith.constant 256 : i32
        %dma_start3A_328 = arith.constant 0 : i32
        %dma_start3A_329 = tpu.memref_slice %arg6[%dma_start3A_327, %dma_start3A_328] : memref<640x64xf32, #tpu.memory_space<vmem>> -> memref<128x64xf32, #tpu.memory_space<vmem>>
        %dma_start3A_330 = arith.constant 0 : i32
        %dma_start3A_331 = tpu.memref_slice %arg5[%add3A_326, %dma_start3A_330] : memref<50x128xi32, #tpu.memory_space<vmem>> -> memref<1x128xi32, #tpu.memory_space<vmem>>
        %dma_start3A_332 = tpu.memref_squeeze %dma_start3A_331 : memref<1x128xi32, #tpu.memory_space<vmem>> -> memref<128xi32, #tpu.memory_space<vmem>>
        %dma_start3A_333 = arith.constant 0 : i32
        %dma_start3A_334 = arith.constant 0 : i32
        %dma_start3A_335 = tpu.memref_slice %arg3[%dma_start3A_333, %dma_start3A_334] : memref<1000000x64xf32, #tpu.memory_space<hbm>> -> memref<1000000x64xf32, #tpu.memory_space<hbm>>
        tpu.enqueue_indirect_dma source(%dma_start3A_335 : memref<1000000x64xf32, #tpu.memory_space<hbm>>) target(%dma_start3A_329 : memref<128x64xf32, #tpu.memory_space<vmem>>) offsets(%dma_start3A_332 : memref<128xi32, #tpu.memory_space<vmem>>) semaphore(%arg8 : memref<!tpu.dma_semaphore, #tpu.memory_space<semaphore_mem>>)
        %mul3A_336 = arith.constant 5 : i32
        %mul3A_337 = arith.muli %add3A_296, %mul3A_336 : i32
        %add3A_338 = arith.constant 3 : i32
        %add3A_339 = arith.addi %mul3A_337, %add3A_338 : i32
        %dma_start3A_340 = arith.constant 384 : i32
        %dma_start3A_341 = arith.constant 0 : i32
        %dma_start3A_342 = tpu.memref_slice %arg6[%dma_start3A_340, %dma_start3A_341] : memref<640x64xf32, #tpu.memory_space<vmem>> -> memref<128x64xf32, #tpu.memory_space<vmem>>
        %dma_start3A_343 = arith.constant 0 : i32
        %dma_start3A_344 = tpu.memref_slice %arg5[%add3A_339, %dma_start3A_343] : memref<50x128xi32, #tpu.memory_space<vmem>> -> memref<1x128xi32, #tpu.memory_space<vmem>>
        %dma_start3A_345 = tpu.memref_squeeze %dma_start3A_344 : memref<1x128xi32, #tpu.memory_space<vmem>> -> memref<128xi32, #tpu.memory_space<vmem>>
        %dma_start3A_346 = arith.constant 0 : i32
        %dma_start3A_347 = arith.constant 0 : i32
        %dma_start3A_348 = tpu.memref_slice %arg3[%dma_start3A_346, %dma_start3A_347] : memref<1000000x64xf32, #tpu.memory_space<hbm>> -> memref<1000000x64xf32, #tpu.memory_space<hbm>>
        tpu.enqueue_indirect_dma source(%dma_start3A_348 : memref<1000000x64xf32, #tpu.memory_space<hbm>>) target(%dma_start3A_342 : memref<128x64xf32, #tpu.memory_space<vmem>>) offsets(%dma_start3A_345 : memref<128xi32, #tpu.memory_space<vmem>>) semaphore(%arg8 : memref<!tpu.dma_semaphore, #tpu.memory_space<semaphore_mem>>)
        %mul3A_349 = arith.constant 5 : i32
        %mul3A_350 = arith.muli %add3A_296, %mul3A_349 : i32
        %add3A_351 = arith.constant 4 : i32
        %add3A_352 = arith.addi %mul3A_350, %add3A_351 : i32
        %dma_start3A_353 = arith.constant 512 : i32
        %dma_start3A_354 = arith.constant 0 : i32
        %dma_start3A_355 = tpu.memref_slice %arg6[%dma_start3A_353, %dma_start3A_354] : memref<640x64xf32, #tpu.memory_space<vmem>> -> memref<128x64xf32, #tpu.memory_space<vmem>>
        %dma_start3A_356 = arith.constant 0 : i32
        %dma_start3A_357 = tpu.memref_slice %arg5[%add3A_352, %dma_start3A_356] : memref<50x128xi32, #tpu.memory_space<vmem>> -> memref<1x128xi32, #tpu.memory_space<vmem>>
        %dma_start3A_358 = tpu.memref_squeeze %dma_start3A_357 : memref<1x128xi32, #tpu.memory_space<vmem>> -> memref<128xi32, #tpu.memory_space<vmem>>
        %dma_start3A_359 = arith.constant 0 : i32
        %dma_start3A_360 = arith.constant 0 : i32
        %dma_start3A_361 = tpu.memref_slice %arg3[%dma_start3A_359, %dma_start3A_360] : memref<1000000x64xf32, #tpu.memory_space<hbm>> -> memref<1000000x64xf32, #tpu.memory_space<hbm>>
        tpu.enqueue_indirect_dma source(%dma_start3A_361 : memref<1000000x64xf32, #tpu.memory_space<hbm>>) target(%dma_start3A_355 : memref<128x64xf32, #tpu.memory_space<vmem>>) offsets(%dma_start3A_358 : memref<128xi32, #tpu.memory_space<vmem>>) semaphore(%arg8 : memref<!tpu.dma_semaphore, #tpu.memory_space<semaphore_mem>>)
      } else {
      }
    }
    %scan3A_56 = arith.constant 5 : i32
    %add3A_57 = arith.constant 5120 : i32
    %add3A_58 = arith.addi %mul3A_2, %add3A_57 : i32
    %dma_wait3A = arith.constant 0 : i32
    %dma_wait3A_59 = tpu.memref_slice %arg4[%add3A_58, %dma_wait3A] : memref<204800x64xf32, #tpu.memory_space<hbm>> -> memref<640x64xf32, #tpu.memory_space<hbm>>
    %dma_wait3A_60 = arith.constant 0 : i32
    %dma_wait3A_61 = tpu.memref_slice %arg4[%add3A_58, %dma_wait3A_60] : memref<204800x64xf32, #tpu.memory_space<hbm>> -> memref<640x64xf32, #tpu.memory_space<hbm>>
    tpu.wait_dma2 semaphore(%arg10 : memref<!tpu.dma_semaphore, #tpu.memory_space<semaphore_mem>>) src(%arg6 : memref<640x64xf32, #tpu.memory_space<vmem>>) dst(%dma_wait3A_61 : memref<640x64xf32, #tpu.memory_space<hbm>>)
    %add3A_62 = arith.constant 5760 : i32
    %add3A_63 = arith.addi %mul3A_2, %add3A_62 : i32
    %dma_wait3A_64 = arith.constant 0 : i32
    %dma_wait3A_65 = tpu.memref_slice %arg4[%add3A_63, %dma_wait3A_64] : memref<204800x64xf32, #tpu.memory_space<hbm>> -> memref<640x64xf32, #tpu.memory_space<hbm>>
    %dma_wait3A_66 = arith.constant 0 : i32
    %dma_wait3A_67 = tpu.memref_slice %arg4[%add3A_63, %dma_wait3A_66] : memref<204800x64xf32, #tpu.memory_space<hbm>> -> memref<640x64xf32, #tpu.memory_space<hbm>>
    tpu.wait_dma2 semaphore(%arg11 : memref<!tpu.dma_semaphore, #tpu.memory_space<semaphore_mem>>) src(%arg7 : memref<640x64xf32, #tpu.memory_space<vmem>>) dst(%dma_wait3A_67 : memref<640x64xf32, #tpu.memory_space<hbm>>)
    return
  }
}

</mosaic_0001>

<sc_bundles>
// kernel: kernel.3.cloned.1.call-start
scs
__scs_entry_jumppad:
0x0: {  	(pc) =	sbr.rel $0x88, $3  }
0x1: {  	(tag) =	ssettag $0x0;
	lr =	simm.s32 $0x1  }
0x2: {  	[smem:$0x3F9F] =	sst lr;
	_ =	strace $0xD0000000  }
0x3: {  	_ = 	snop  }
0x4: {  	_ = 	snop  }
0x5: {  	_ = 	snop  }
0x6: {  	_ = 	snop  }
0x7: {  	_ = 	snop  }
__scs_overlays_trampoline_lowered:
0x8: {  	[smem:$0x3FAE] =	sst s0  }
0x9: {  	[smem:$0x3FAF] =	sst s1  }
0xa: {  	[smem:$0x3FB0] =	sst s2  }
0xb: {  	[smem:$0x3FB1] =	sst s3  }
0xc: {  	[smem:$0x3FB2] =	sst s4  }
0xd: {  	[smem:$0x3FB3] =	sst s5  }
0xe: {  	[smem:$0x3FB4] =	sst s6  }
0xf: {  	[smem:$0x3FB5] =	sst s7  }
0x10: {  	[smem:$0x3FB6] =	sst s8  }
0x11: {  	[smem:$0x3FB7] =	sst s9;
	s0 =	simm.s32 @!p0 $0x0  }
0x12: {  	s1 =	sld [smem:$0x3F9D];
	s0 =	simm.s32 @p0 $0x1  }
0x13: {  	[smem:$0x3FB8] =	sst s0;
	s0 =	simm.s32 @!p1 $0x0  }
0x14: {  	s2 =	sld [smem:$0x3F9C];
	s0 =	simm.s32 @p1 $0x1  }
0x15: {  	[smem:$0x3FB9] =	sst s0;
	s0 =	simm.s32 @!p2 $0x0  }
0x16: {  	s3 =	sld [smem:$0x3FDB];
	s0 =	simm.s32 @p2 $0x1  }
0x17: {  	s4 =	simm.s32 $0x1BF5;
	[smem:$0x3FBB] =	sst s0  }
0x18: {  	s0 =	sld [smem:$0x3F9E];
	_ =	swait.ge [sflag:s4], $0x0  }
0x19: {  	s7 =	sld [smem:$0x3F9F]  }
0x1a: {  	s8 =	sadd.s32 $0xFFFFE003, lr  }
0x1b: {  	s9 =	sadd.s32 $0xFFFFFEF7, lr;
	s5 =	simm.s32 $0xFFFFFFFF;
	p2 =	slt.u32 s8, $0xFFFFF086  }
0x1c: {  	p1 =	slt.u32 s9, $0xF7A;
	s5 =	simm.s32 @!p2 $0x0  }
0x1d: {  	s5 =	simm.s32 @p1 $0x1;
	p0 =	seq.s32 s7, s2  }
0x1e: {  	s7 =	smul.u32 @!p0 $0xF7A, s2;
	p2 =	seq.s32 @!p0 s5, $0x0  }
0x1f: {  	s9 =	smul.u32 $0xF7A, s1;
	s8 =	simm.s32 @!p0 $0x1BF5;
	p2 =	por !p2, p0  }
0x20: {  	[sflag:s8] =	ssyncset.s32 @!p0 $0xFFFFF086;
	s6 =	sadd.s32 @!p0 s3, s7;
	s7 =	simm.s32 @!p0 $0x108  }
0x21: {  	s3 =	sadd.s32 s3, s9;
	s6 =	sadd.s32 @!p0 $0x88, s6;
	s7 =	simm.s32 @p2 $0x1082  }
0x22: {  	[simem:s7], [sflag:s8] =	dma.local @!p0 [hbm:s6], $0xF7A  }
0x23: {  	s9 =	sor.u32 $0xD0000000, s2;
	s6 =	simm.s32 $0x108;
	_ =	swait.ge @!p0 [sflag:s8], $0x0  }
0x24: {  	s3 =	sadd.s32 $0x88, s3;
	s6 =	simm.s32 @!p1 $0x1082;
	[sflag:s4] =	ssyncset.s32 $0xFFFFF086  }
0x25: {  	[simem:s6], [sflag:s4] =	dma.local [hbm:s3], $0xF7A  }
0x26: {  	[smem:$0x3F9F] =	sst s1;
	(tag) =	ssettag s2;
	_ =	strace s9  }
0x27: {  	s1 =	sld [smem:$0x3FAF]  }
0x28: {  	s2 =	sld [smem:$0x3FB0]  }
0x29: {  	s4 =	sld [smem:$0x3FB2]  }
0x2a: {  	p0 =	seq.s32 s5, $0x0;
	s5 =	sld [smem:$0x3FB3]  }
0x2b: {  	s6 =	sld [smem:$0x3FB4]  }
0x2c: {  	s7 =	sld [smem:$0x3FB5]  }
0x2d: {  	s3 =	simm.s32 $0x108;
	s8 =	sld [smem:$0x3FB6]  }
0x2e: {  	s3 =	simm.s32 @!p0 $0x1082;
	s9 =	sld [smem:$0x3FB7]  }
0x2f: {  	lr =	sadd.s32 s0, s3;
	s0 =	sld [smem:$0x3FAE]  }
0x30: {  	s3 =	sld [smem:$0x3FB1]  }
0x31: {  	[smem:$0x3FBA] =	sst s10  }
0x32: {  	s10 =	sld [smem:$0x3FB8];
	_ =	sdelay $0x3  }
0x33: {  	p0 =	seq.s32 s10, $0x1;
	s10 =	sld [smem:$0x3FBA];
	_ =	sdelay $0x3  }
0x34: {  	[smem:$0x3FBA] =	sst s10  }
0x35: {  	s10 =	sld [smem:$0x3FB9];
	_ =	sdelay $0x3  }
0x36: {  	p1 =	seq.s32 s10, $0x1;
	s10 =	sld [smem:$0x3FBA];
	_ =	sdelay $0x3  }
0x37: {  	[smem:$0x3FBA] =	sst s10  }
0x38: {  	s10 =	sld [smem:$0x3FBB]  }
0x39: {  	_ = 	snop;
	(pc) =	sbr.ind lr, $3  }
0x3a: {  	_ = 	snop  }
0x3b: {  	_ = 	snop  }
0x3c: {  	p2 =	seq.s32 s10, $0x1;
	s10 =	sld [smem:$0x3FBA]  }
0x3d: {  	_ =	shalt  }
0x3e: {  	_ =	shalt  }
0x3f: {  	_ =	shalt  }
0x40: {  	_ =	shalt  }
0x41: {  	_ =	shalt  }
0x42: {  	_ =	shalt  }
0x43: {  	_ =	shalt  }
0x44: {  	_ =	shalt  }
0x45: {  	_ =	shalt  }
0x46: {  	_ =	shalt  }
0x47: {  	_ =	shalt  }
0x48: {  	_ =	shalt  }
0x49: {  	_ =	shalt  }
0x4a: {  	_ =	shalt  }
0x4b: {  	_ =	shalt  }
0x4c: {  	_ =	shalt  }
0x4d: {  	_ =	shalt  }
0x4e: {  	_ =	shalt  }
0x4f: {  	_ =	shalt  }
0x50: {  	_ =	shalt  }
0x51: {  	_ =	shalt  }
0x52: {  	_ =	shalt  }
0x53: {  	_ =	shalt  }
0x54: {  	_ =	shalt  }
0x55: {  	_ =	shalt  }
0x56: {  	_ =	shalt  }
0x57: {  	_ =	shalt  }
0x58: {  	_ =	shalt  }
0x59: {  	_ =	shalt  }
0x5a: {  	_ =	shalt  }
0x5b: {  	_ =	shalt  }
0x5c: {  	_ =	shalt  }
0x5d: {  	_ =	shalt  }
0x5e: {  	_ =	shalt  }
0x5f: {  	_ =	shalt  }
0x60: {  	_ =	shalt  }
0x61: {  	_ =	shalt  }
0x62: {  	_ =	shalt  }
0x63: {  	_ =	shalt  }
0x64: {  	_ =	shalt  }
0x65: {  	_ =	shalt  }
0x66: {  	_ =	shalt  }
0x67: {  	_ =	shalt  }
0x68: {  	_ =	shalt  }
0x69: {  	_ =	shalt  }
0x6a: {  	_ =	shalt  }
0x6b: {  	_ =	shalt  }
0x6c: {  	_ =	shalt  }
0x6d: {  	_ =	shalt  }
0x6e: {  	_ =	shalt  }
0x6f: {  	_ =	shalt  }
0x70: {  	_ =	shalt  }
0x71: {  	_ =	shalt  }
0x72: {  	_ =	shalt  }
0x73: {  	_ =	shalt  }
0x74: {  	_ =	shalt  }
0x75: {  	_ =	shalt  }
0x76: {  	_ =	shalt  }
0x77: {  	_ =	shalt  }
0x78: {  	_ =	shalt  }
0x79: {  	_ =	shalt  }
0x7a: {  	_ =	shalt  }
0x7b: {  	_ =	shalt  }
0x7c: {  	_ =	shalt  }
0x7d: {  	_ =	shalt  }
0x7e: {  	_ =	shalt  }
0x7f: {  	_ =	shalt  }
0x80: {  	_ =	shalt  }
0x81: {  	_ =	shalt  }
0x82: {  	_ =	shalt  }
0x83: {  	_ =	shalt  }
0x84: {  	_ =	shalt  }
0x85: {  	_ =	shalt  }
0x86: {  	_ =	shalt  }
0x87: {  	_ =	shalt  }
.Lfunc_end0:
.L_simem_size_0:
called_computation.1_lowered:
.L_overlay_start_0:
0x88: {  	s2 =	sld [smem:$0x3FD9]  }
0x89: {  	s3 =	sld [smem:$0x3FFE];
	_ =	sdelay $0x1  }
0x8a: {  	s1 =	srdreg.scid  }
0x8b: {  	s0 =	sand.u32 $0x1, s1  }
0x8c: {  	s17 =	sshll.u32 s0, $0xA;
	s2 =	sadd.s32 s3, s2  }
0x8d: {  	s2 =	sadd.s32 s2, s17  }
0x8e: {  	[smem:$0x3FC6] =	sst s2  }
0x8f: {  	_ = 	snop  }
0x90: {  	s2 =	sld [smem:$0x3FD0];
	(tm) =	ssettm $0x1  }
0x91: {  	s18 =	sld [smem:$0x3FFB];
	_ =	sdelay $0x3  }
0x92: {  	_ =	strace s18  }
0x93: {  	s3 =	sld [smem:$0x3FFC];
	_ =	sdelay $0x3  }
0x94: {  	_ =	strace s3  }
0x95: {  	s3 =	sld [smem:$0x3FFD];
	_ =	sdelay $0x3  }
0x96: {  	_ =	strace s3  }
0x97: {  	_ =	strace $0x8FFFFFFF  }
0x98: {  	s19 =	sld [smem:$0x3FDB];
	_ =	sdelay $0x1  }
0x99: {  	s4 =	simm.s32 $_scs_section_size  }
0x9a: {  	s5 =	simm.s32 $_size__tile_overlayer_lowered;
	s6 =	simm.s32 $_tile_overlayer_lowered  }
0x9b: {  	s22 =	simm.s32 $0x1BFF;
	s21 =	sshll.u32 s6, $0x1;
	s3 =	sadd.s32 s4, s19  }
0x9c: {  	s7 =	simm.s32 $0x0;
	s20 =	sshll.u32 s5, $0x1;
	s5 =	sadd.s32 s21, s3  }
0x9d: {  	[timem:s7], [sflag:s22] =	dma.local [hbm:s5], s20  }
0x9e: {  	_ =	swait.ge [sflag:s22], s20  }
0x9f: {  	s4 =	ssub.s32 $0x0, s20;
	[sflag:s22] =	ssyncset.done $0x0  }
0xa0: {  	[sflag:s22] =	ssyncadd.s32 s4;
	_ =	sdelay $0x1  }
0xa1: {  	s23 =	simm.s32 $0x1B8B  }
0xa2: {  	_ =	swait.ge [sflag:s23], $0x1  }
0xa3: {  	[sflag:s23] =	ssyncset.done $0x0  }
0xa4: {  	s25 =	simm.s32 $0x1B8E;
	s24 =	sld [smem:$0x3FFE];
	[sflag:s23] =	ssyncadd.s32 $0xFFFFFFFF  }
0xa5: {  	s26 =	simm.s32 $execute0_lowered;
	[smem:$0x3FD2] =	sst s25  }
0xa6: {  	s5 =	sshll.u32 s26, $0x1;
	_ =	strace $0x80000046;
	[dreg:$0x1] =	wrdreg $0xFFFFFFFF  }
0xa7: {  	s28 =	simm.s32 $_size_execute0_lowered;
	s3 =	sadd.s32 s3, s5;
	[dreg:$0x0] =	wrdreg $0x0  }
0xa8: {  	s5 =	sshll.u32 s28, $0x1;
	[dreg:$0x2] =	wrdreg s3  }
0xa9: {  	[dreg:$0x3] =	wrdreg s5  }
0xaa: {  	[dreg:$0x4] =	wrdreg $0xC0  }
0xab: {  	_ =	task [dreg:s7], $0x5FFFF  }
0xac: {  	[dreg:$0x1] =	wrdreg $0xFFFFFFFF  }
0xad: {  	[dreg:$0x0] =	wrdreg $0x60  }
0xae: {  	[dreg:$0x2] =	wrdreg s24  }
0xaf: {  	[dreg:$0x3] =	wrdreg s2  }
0xb0: {  	[dreg:$0x4] =	wrdreg $0x9  }
0xb1: {  	_ =	task.clear_ibuf [dreg:s7], $0x5FFFF;
	_ =	strace $0x90000046  }
0xb2: {  	s29 =	simm.s32 $0x9;
	_ =	strace $0x80000048  }
0xb3: {  	_ =	swait.ge [sflag:s29], $0x1  }
0xb4: {  	[sflag:s29] =	ssyncadd.s32 $0xFFFFFFFF  }
0xb5: {  	_ =	strace $0x90000048  }
0xb6: {  	_ =	sfence  }
0xb7: {  	s30 =	sld [smem:$0x0];
	_ =	sdelay $0x2  }
0xb8: {  	s31 =	sshll.u32 s1, $0xD;
	s1 =	sshrl.u32 s1, $0x2  }
0xb9: {  	s3 =	sand.u32 $0x4000, s31;
	s1 =	sadd.s32 s1, s30  }
0xba: {  	s0 =	sor.u32 s3, s0;
	s1 =	sshll.u32 s1, $0x11  }
0xbb: {  	s0 =	sor.u32 s1, s0  }
0xbc: {  	s0 =	sadd.s32 $0x8F2B, s0  }
0xbd: {  	[sflag:s0] =	ssyncadd.remote.s32 $0x1  }
0xbe: {  	_ =	sfence.sel $0xFFFF  }
0xbf: {  	[dreg:$0x0] =	wrdreg $0xFFFFFFFF;
	(pc) =	sbr.abs _section_cstart, $3  }
0xc0: {  	[dreg:$0x1] =	wrdreg $0xFFFFFFFF  }
0xc1: {  	_ =	task.clear_ibuf [dreg:s7], $0x2FFFF;
	_ =	strace $0x9FFFFFFF  }
0xc2: {  	(tm) =	ssettm $0x7FFFFFFF  }
0xc3: {  	_ =	shalt  }
tec
execute0_lowered:
.L_overlay_start_1:
0x0: {  	(tag) =	ssettag $0x1  }
0x1: {  	s0 =	rddreg [dreg:$0x0];
	s1 =	srdreg.scid  }
0x2: {  	s11 =	stileid.u32;
	s7 =	rddreg [dreg:$0x1]  }
0x3: {  	s2 =	simm.s32 $0x0;
	s12 =	simm.s32 $0x1900;
	s13 =	simm.s32 $0x3900  }
0x4: {  	s15 =	simm.s32 $0x5900;
	s17 =	simm.s32 $0x7900;
	s19 =	simm.s32 $0x9900  }
0x5: {  	s29 =	simm.s32 $0x11900;
	s31 =	simm.s32 $0x13900;
	s5 =	smul.u32 $0x3200, s11  }
0x6: {  	s28 =	simm.s32 $0x0;
	s1 =	sand.u32 $0x1, s1;
	s23 =	smul.u32 $0x19000, s11  }
0x7: {  	s3 =	sshll.u32 s11, $0x1;
	[smem:$0x7FF] =	sst s2;
	s10 =	smul.u32 $0x1900, s1  }
0x8: {  	s3 =	sor.u32 s1, s3;
	s21 =	ssub.s32 $0x2, s1;
	s1 =	smul.u32 $0xC800, s1  }
0x9: {  	s11 =	simm.s32 $0x80;
	_ =	strace $0x80000047;
	s4 =	smul.u32 $0x1900, s3  }
0xa: {  	s6 =	smul.u32 $0xC800, s3;
	s9 =	sshrl.u32 s21, $0x1;
	s3 =	sadd.s32 $0xF42E00, s0  }
0xb: {  	s25 =	sadd.s32 s23, s7;
	s23 =	simm.s32 $0x700;
	s22 =	ssub.s32 s21, s9  }
0xc: {  	s24 =	sadd.s32 s10, s5;
	s10 =	simm.s32 $0x5;
	s20 =	sshrl.u32 s4, $0x3  }
0xd: {  	s5 =	smax.u32 s22, $0x1;
	s6 =	sadd.s32 s7, s6;
	s22 =	simm.s32 $0xB900  }
.Ltmp0:
0xe: {  	s8 =	sadd.s32 s20, s0;
	s0 =	sadd.s32 s1, s25;
	(pc) =	sbr.rel .LBB2_1-.Ltmp0, $4  }
0xf: {  	s20 =	simm.s32 $0x1;
	s1 =	simm.s32 $0x2;
	s25 =	simm.s32 $0x4  }
0x10: {  	s4 =	sadd.s32 $0xA00, s8;
	s8 =	sshll.u32 s24, $0x3;
	s14 =	sadd.s32 $0x2800, s0  }
0x11: {  	s24 =	simm.s32 $0xD900;
	s0 =	simm.s32 $0x3;
	s26 =	sadd.s32 s7, s8  }
0x12: {  	s7 =	sadd.s32 $0x1400, s6;
	s30 =	sadd.s32 $0x3C00, s26;
	s26 =	simm.s32 $0xF900  }
.LBB2_4:
0x13: {  	s28 =	sadd.s32 $0x1, s28  }
0x14: {  	p0 =	sne.s32 s28, s5  }
.Ltmp1:
0x15: {  	_ = 	snop;
	(pc) =	sbr.rel @!p0 .LBB2_5-.Ltmp1, $4  }
0x16: {  	_ = 	snop  }
0x17: {  	_ =	swait.ge [sflag:s25], $0xA000  }
0x18: {  	[sflag:s25] =	ssyncset.done $0x0  }
0x19: {  	[sflag:s25] =	ssyncadd.s32 $0xFFFF6000  }
.LBB2_1:
0x1a: {  	[tilespmem:s2], [sflag:$0x5] =	stream.linear.gather [hbm4b:s4+s2], $0x1900, $0x38;
	[tilespmem:$0x15900] =	vst v63  }
0x1b: {  	_ =	swait.ge [sflag:s10], $0x1900  }
0x1c: {  	[sflag:s10] =	ssyncset.done $0x0  }
0x1d: {  	[sflag:s10] =	ssyncadd.s32 $0xFFFFE700  }
0x1e: {  	[tilespmem:s12], [sflag:$0x1] =	stream.indirect.gather [hbm4b:s3+s11], $0x40, s2, s11, $0xb8;
	[tilespmem:$0x15900] =	vst v63  }
0x1f: {  	_ = 	snop  }
0x20: {  	[tilespmem:s13], [sflag:$0x1] =	stream.indirect.gather [hbm4b:s3+s11], $0x40, s11, s11, $0xb8;
	[tilespmem:$0x15900] =	vst v63  }
0x21: {  	s8 =	simm.s32 $0x100  }
0x22: {  	[tilespmem:s15], [sflag:$0x1] =	stream.indirect.gather [hbm4b:s3+s11], $0x40, s8, s11, $0xb8;
	[tilespmem:$0x15900] =	vst v63  }
0x23: {  	s16 =	simm.s32 $0x180  }
0x24: {  	[tilespmem:s17], [sflag:$0x1] =	stream.indirect.gather [hbm4b:s3+s11], $0x40, s16, s11, $0xb8;
	[tilespmem:$0x15900] =	vst v63  }
0x25: {  	s18 =	simm.s32 $0x200  }
0x26: {  	[tilespmem:s19], [sflag:$0x1] =	stream.indirect.gather [hbm4b:s3+s11], $0x40, s18, s11, $0xb8;
	[tilespmem:$0x15900] =	vst v63  }
0x27: {  	_ =	swait.ge [sflag:s20], $0x2000  }
0x28: {  	[sflag:s20] =	ssyncset.done $0x0  }
0x29: {  	[sflag:s20] =	ssyncadd.s32 $0xFFFFE000  }
0x2a: {  	_ =	swait.ge [sflag:s20], $0x2000  }
0x2b: {  	[sflag:s20] =	ssyncset.done $0x0  }
0x2c: {  	[sflag:s20] =	ssyncadd.s32 $0xFFFFE000  }
0x2d: {  	_ =	swait.ge [sflag:s20], $0x2000  }
0x2e: {  	[sflag:s20] =	ssyncset.done $0x0  }
0x2f: {  	[sflag:s20] =	ssyncadd.s32 $0xFFFFE000  }
0x30: {  	_ =	swait.ge [sflag:s20], $0x2000  }
0x31: {  	[sflag:s20] =	ssyncset.done $0x0  }
0x32: {  	[sflag:s20] =	ssyncadd.s32 $0xFFFFE000  }
0x33: {  	_ =	swait.ge [sflag:s20], $0x2000  }
0x34: {  	[sflag:s20] =	ssyncset.done $0x0  }
0x35: {  	[sflag:s20] =	ssyncadd.s32 $0xFFFFE000  }
0x36: {  	[hbm4b:s6+s2] =	stream.linear.scatter [tilespmem:s12], [sflag:$0x3], $0xA000, $0x38;
	[tilespmem:$0x15900] =	vst v63  }
0x37: {  	s21 =	simm.s32 $0x280  }
0x38: {  	[tilespmem:s22], [sflag:$0x2] =	stream.indirect.gather [hbm4b:s3+s11], $0x40, s21, s11, $0xb8;
	[tilespmem:$0x15900] =	vst v63  }
0x39: {  	s9 =	simm.s32 $0x300  }
0x3a: {  	[tilespmem:s24], [sflag:$0x2] =	stream.indirect.gather [hbm4b:s3+s11], $0x40, s9, s11, $0xb8;
	[tilespmem:$0x15900] =	vst v63  }
0x3b: {  	s16 =	simm.s32 $0x380  }
0x3c: {  	[tilespmem:s26], [sflag:$0x2] =	stream.indirect.gather [hbm4b:s3+s11], $0x40, s16, s11, $0xb8;
	[tilespmem:$0x15900] =	vst v63  }
0x3d: {  	s18 =	simm.s32 $0x400  }
0x3e: {  	[tilespmem:s29], [sflag:$0x2] =	stream.indirect.gather [hbm4b:s3+s11], $0x40, s18, s11, $0xb8;
	[tilespmem:$0x15900] =	vst v63  }
0x3f: {  	s21 =	simm.s32 $0x480  }
0x40: {  	[tilespmem:s31], [sflag:$0x2] =	stream.indirect.gather [hbm4b:s3+s11], $0x40, s21, s11, $0xb8;
	[tilespmem:$0x15900] =	vst v63  }
0x41: {  	_ =	swait.ge [sflag:s1], $0x2000  }
0x42: {  	[sflag:s1] =	ssyncset.done $0x0  }
0x43: {  	[sflag:s1] =	ssyncadd.s32 $0xFFFFE000  }
0x44: {  	_ =	swait.ge [sflag:s1], $0x2000  }
0x45: {  	[sflag:s1] =	ssyncset.done $0x0  }
0x46: {  	[sflag:s1] =	ssyncadd.s32 $0xFFFFE000  }
0x47: {  	_ =	swait.ge [sflag:s1], $0x2000  }
0x48: {  	[sflag:s1] =	ssyncset.done $0x0  }
0x49: {  	[sflag:s1] =	ssyncadd.s32 $0xFFFFE000  }
0x4a: {  	_ =	swait.ge [sflag:s1], $0x2000  }
0x4b: {  	[sflag:s1] =	ssyncset.done $0x0  }
0x4c: {  	[sflag:s1] =	ssyncadd.s32 $0xFFFFE000  }
0x4d: {  	_ =	swait.ge [sflag:s1], $0x2000  }
0x4e: {  	[sflag:s1] =	ssyncset.done $0x0  }
0x4f: {  	[sflag:s1] =	ssyncadd.s32 $0xFFFFE000  }
0x50: {  	[hbm4b:s7+s2] =	stream.linear.scatter [tilespmem:s22], [sflag:$0x4], $0xA000, $0x38;
	[tilespmem:$0x15900] =	vst v63  }
0x51: {  	_ =	swait.ge [sflag:s0], $0xA000  }
0x52: {  	[sflag:s0] =	ssyncset.done $0x0  }
0x53: {  	s9 =	simm.s32 $0x500;
	[sflag:s0] =	ssyncadd.s32 $0xFFFF6000  }
0x54: {  	[tilespmem:s12], [sflag:$0x1] =	stream.indirect.gather [hbm4b:s3+s11], $0x40, s9, s11, $0xb8;
	[tilespmem:$0x15900] =	vst v63  }
0x55: {  	s16 =	simm.s32 $0x580  }
0x56: {  	[tilespmem:s13], [sflag:$0x1] =	stream.indirect.gather [hbm4b:s3+s11], $0x40, s16, s11, $0xb8;
	[tilespmem:$0x15900] =	vst v63  }
0x57: {  	s18 =	simm.s32 $0x600  }
0x58: {  	[tilespmem:s15], [sflag:$0x1] =	stream.indirect.gather [hbm4b:s3+s11], $0x40, s18, s11, $0xb8;
	[tilespmem:$0x15900] =	vst v63  }
0x59: {  	s21 =	simm.s32 $0x680  }
0x5a: {  	[tilespmem:s17], [sflag:$0x1] =	stream.indirect.gather [hbm4b:s3+s11], $0x40, s21, s11, $0xb8;
	[tilespmem:$0x15900] =	vst v63  }
0x5b: {  	s8 =	smov.u32 s14;
	s9 =	smov.u32 s30;
	s16 =	simm.s32 $0x0  }
0x5c: {  	[tilespmem:s19], [sflag:$0x1] =	stream.indirect.gather [hbm4b:s3+s11], $0x40, s23, s11, $0xb8;
	[tilespmem:$0x15900] =	vst v63  }
.LBB2_2:
0x5d: {  	_ =	swait.ge [sflag:s20], $0x2000  }
0x5e: {  	[sflag:s20] =	ssyncset.done $0x0  }
0x5f: {  	[sflag:s20] =	ssyncadd.s32 $0xFFFFE000  }
0x60: {  	_ =	swait.ge [sflag:s20], $0x2000  }
0x61: {  	[sflag:s20] =	ssyncset.done $0x0  }
0x62: {  	[sflag:s20] =	ssyncadd.s32 $0xFFFFE000  }
0x63: {  	_ =	swait.ge [sflag:s20], $0x2000  }
0x64: {  	[sflag:s20] =	ssyncset.done $0x0  }
0x65: {  	[sflag:s20] =	ssyncadd.s32 $0xFFFFE000  }
0x66: {  	_ =	swait.ge [sflag:s20], $0x2000  }
0x67: {  	[sflag:s20] =	ssyncset.done $0x0  }
0x68: {  	[sflag:s20] =	ssyncadd.s32 $0xFFFFE000  }
0x69: {  	_ =	swait.ge [sflag:s20], $0x2000  }
0x6a: {  	[sflag:s20] =	ssyncset.done $0x0  }
0x6b: {  	[sflag:s20] =	ssyncadd.s32 $0xFFFFE000  }
0x6c: {  	[hbm4b:s8+s2] =	stream.linear.scatter [tilespmem:s12], [sflag:$0x3], $0xA000, $0x38;
	[tilespmem:$0x15900] =	vst v63  }
0x6d: {  	_ =	swait.ge [sflag:s25], $0xA000  }
0x6e: {  	s18 =	sshra.s32 s16, $0x2;
	[sflag:s25] =	ssyncset.done $0x0  }
0x6f: {  	s21 =	sadd.s32 $0x780, s18;
	[sflag:s25] =	ssyncadd.s32 $0xFFFF6000  }
0x70: {  	[tilespmem:s22], [sflag:$0x2] =	stream.indirect.gather [hbm4b:s3+s11], $0x40, s21, s11, $0xb8;
	[tilespmem:$0x15900] =	vst v63  }
0x71: {  	s21 =	sadd.s32 $0x800, s18  }
0x72: {  	[tilespmem:s24], [sflag:$0x2] =	stream.indirect.gather [hbm4b:s3+s11], $0x40, s21, s11, $0xb8;
	[tilespmem:$0x15900] =	vst v63  }
0x73: {  	s21 =	sadd.s32 $0x880, s18  }
0x74: {  	[tilespmem:s26], [sflag:$0x2] =	stream.indirect.gather [hbm4b:s3+s11], $0x40, s21, s11, $0xb8;
	[tilespmem:$0x15900] =	vst v63  }
0x75: {  	s21 =	sadd.s32 $0x900, s18  }
0x76: {  	[tilespmem:s29], [sflag:$0x2] =	stream.indirect.gather [hbm4b:s3+s11], $0x40, s21, s11, $0xb8;
	[tilespmem:$0x15900] =	vst v63  }
0x77: {  	s21 =	sadd.s32 $0x980, s18  }
0x78: {  	[tilespmem:s31], [sflag:$0x2] =	stream.indirect.gather [hbm4b:s3+s11], $0x40, s21, s11, $0xb8;
	[tilespmem:$0x15900] =	vst v63  }
0x79: {  	_ =	swait.ge [sflag:s1], $0x2000  }
0x7a: {  	[sflag:s1] =	ssyncset.done $0x0  }
0x7b: {  	[sflag:s1] =	ssyncadd.s32 $0xFFFFE000  }
0x7c: {  	_ =	swait.ge [sflag:s1], $0x2000  }
0x7d: {  	[sflag:s1] =	ssyncset.done $0x0  }
0x7e: {  	[sflag:s1] =	ssyncadd.s32 $0xFFFFE000  }
0x7f: {  	_ =	swait.ge [sflag:s1], $0x2000  }
0x80: {  	[sflag:s1] =	ssyncset.done $0x0  }
0x81: {  	[sflag:s1] =	ssyncadd.s32 $0xFFFFE000  }
0x82: {  	_ =	swait.ge [sflag:s1], $0x2000  }
0x83: {  	[sflag:s1] =	ssyncset.done $0x0  }
0x84: {  	[sflag:s1] =	ssyncadd.s32 $0xFFFFE000  }
0x85: {  	_ =	swait.ge [sflag:s1], $0x2000  }
0x86: {  	p0 =	seq.s32 s16, $0x3C00;
	[sflag:s1] =	ssyncset.done $0x0  }
.Ltmp2:
0x87: {  	[sflag:s1] =	ssyncadd.s32 $0xFFFFE000;
	(pc) =	sbr.rel @p0 .LBB2_4-.Ltmp2, $4  }
0x88: {  	[hbm4b:s9+s2] =	stream.linear.scatter [tilespmem:s22], [sflag:$0x4], $0xA000, $0x38;
	[tilespmem:$0x15900] =	vst v63  }
0x89: {  	_ =	swait.ge [sflag:s0], $0xA000  }
0x8a: {  	[sflag:s0] =	ssyncset.done $0x0  }
0x8b: {  	[sflag:s0] =	ssyncadd.s32 $0xFFFF6000  }
0x8c: {  	s21 =	sadd.s32 $0xA00, s18  }
0x8d: {  	[tilespmem:s12], [sflag:$0x1] =	stream.indirect.gather [hbm4b:s3+s11], $0x40, s21, s11, $0xb8;
	[tilespmem:$0x15900] =	vst v63  }
0x8e: {  	s21 =	sadd.s32 $0xA80, s18  }
0x8f: {  	[tilespmem:s13], [sflag:$0x1] =	stream.indirect.gather [hbm4b:s3+s11], $0x40, s21, s11, $0xb8;
	[tilespmem:$0x15900] =	vst v63  }
0x90: {  	s21 =	sadd.s32 $0xB00, s18  }
0x91: {  	[tilespmem:s15], [sflag:$0x1] =	stream.indirect.gather [hbm4b:s3+s11], $0x40, s21, s11, $0xb8;
	[tilespmem:$0x15900] =	vst v63  }
.Ltmp3:
0x92: {  	_ = 	snop;
	(pc) =	sbr.rel .LBB2_2-.Ltmp3, $4  }
0x93: {  	s16 =	sadd.s32 $0x1400, s16;
	s21 =	sadd.s32 $0xB80, s18  }
0x94: {  	[tilespmem:s17], [sflag:$0x1] =	stream.indirect.gather [hbm4b:s3+s11], $0x40, s21, s11, $0xb8;
	[tilespmem:$0x15900] =	vst v63  }
0x95: {  	s8 =	sadd.s32 $0x2800, s8;
	s9 =	sadd.s32 $0x2800, s9;
	s21 =	sadd.s32 $0xC00, s18  }
0x96: {  	[tilespmem:s19], [sflag:$0x1] =	stream.indirect.gather [hbm4b:s3+s11], $0x40, s21, s11, $0xb8;
	[tilespmem:$0x15900] =	vst v63  }
.LBB2_5:
0x97: {  	_ =	sfence.sel $0x180000  }
0x98: {  	[bflag:$0x0] =	sbarrier.arrive $0xFFFF  }
0x99: {  	_ =	strace $0x90000047  }
0x9a: {  	s0 =	stileid.u32;
	[bflag:$0x2] =	sbarrier.arrive $0xFFFF  }
0x9b: {  	p0 =	sne.s32 s0, $0x0;
	s0 =	rddreg [dreg:$0x2]  }
0x9c: {  	s0 =	sadd.s32 @!p0 $0x100000, s0  }
0x9d: {  	[sflag:s0] =	ssyncadd.tile.s32 @!p0 $0x1;
	_ =	shalt  }
.Lfunc_end2:
_tile_overlayer_lowered:
.L_overlay_start_2:
0x9e: {  	(tag) =	ssettag $0x2  }
0x9f: {  	s0 =	rddreg [dreg:$0x0];
	s2 =	stileid.u32  }
0xa0: {  	s1 =	rddreg [dreg:$0x1];
	p0 =	sne.s32 s2, $0x0  }
0xa1: {  	s3 =	rddreg [dreg:$0x2];
	[bflag:$0x3] =	sbarrier.arrive $0xFFFF;
	s2 =	simm.s32 @!p0 $0x1C05  }
0xa2: {  	[timem:s3], [sflag:s2] =	dma.local @!p0 [hbm:s0], s1  }
0xa3: {  	s0 =	simm.s32 @!p0 $0x5  }
0xa4: {  	_ =	swait.ge @!p0 [sflag:s0], s1  }
0xa5: {  	s1 =	ssub.s32 @!p0 $0x0, s1;
	[sflag:s0] =	ssyncset.done @!p0 $0x0  }
0xa6: {  	[sflag:s0] =	ssyncadd.s32 @!p0 s1  }
0xa7: {  	[bflag:$0x3] =	sbarrier.arrive $0xFFFF  }
0xa8: {  	_ =	shalt  }

// kernel: sparse-core-data-format-call.cloned.1.call-start
scs
called_computation_lowered:
.L_overlay_start_0:
0x0: {  	s2 =	sld [smem:$0x3FD9]  }
0x1: {  	s3 =	sld [smem:$0x3FFE];
	_ =	sdelay $0x1  }
0x2: {  	s1 =	srdreg.scid  }
0x3: {  	s0 =	sand.u32 $0x1, s1  }
0x4: {  	s18 =	sshll.u32 s0, $0xA;
	s2 =	sadd.s32 s3, s2  }
0x5: {  	s2 =	sadd.s32 s2, s18  }
0x6: {  	[smem:$0x3FC6] =	sst s2  }
0x7: {  	_ = 	snop  }
0x8: {  	s2 =	sld [smem:$0x3FD0];
	(tm) =	ssettm $0x1  }
0x9: {  	s19 =	sld [smem:$0x3FFB];
	_ =	sdelay $0x3  }
0xa: {  	_ =	strace s19  }
0xb: {  	s3 =	sld [smem:$0x3FFC];
	_ =	sdelay $0x3  }
0xc: {  	_ =	strace s3  }
0xd: {  	s3 =	sld [smem:$0x3FFD];
	_ =	sdelay $0x3  }
0xe: {  	_ =	strace s3  }
0xf: {  	_ =	strace $0x8FFFFFFF  }
0x10: {  	s20 =	sld [smem:$0x3FDB];
	_ =	sdelay $0x1  }
0x11: {  	s4 =	simm.s32 $_scs_section_size  }
0x12: {  	s5 =	simm.s32 $_size__tile_overlayer_lowered;
	s6 =	simm.s32 $_tile_overlayer_lowered  }
0x13: {  	s23 =	simm.s32 $0x1BFF;
	s22 =	sshll.u32 s6, $0x1;
	s3 =	sadd.s32 s4, s20  }
0x14: {  	s7 =	simm.s32 $0x0;
	s21 =	sshll.u32 s5, $0x1;
	s5 =	sadd.s32 s22, s3  }
0x15: {  	[timem:s7], [sflag:s23] =	dma.local [hbm:s5], s21  }
0x16: {  	_ =	swait.ge [sflag:s23], s21  }
0x17: {  	s4 =	ssub.s32 $0x0, s21;
	[sflag:s23] =	ssyncset.done $0x0  }
0x18: {  	[sflag:s23] =	ssyncadd.s32 s4;
	_ =	sdelay $0x1  }
0x19: {  	s24 =	simm.s32 $0x1B8B  }
0x1a: {  	_ =	swait.ge [sflag:s24], $0x1  }
0x1b: {  	[sflag:s24] =	ssyncset.done $0x0  }
0x1c: {  	s26 =	simm.s32 $0x1B8E;
	s25 =	sld [smem:$0x3FFE];
	[sflag:s24] =	ssyncadd.s32 $0xFFFFFFFF  }
0x1d: {  	s27 =	simm.s32 $execute0_lowered;
	[smem:$0x3FD2] =	sst s26  }
0x1e: {  	s5 =	sshll.u32 s27, $0x1;
	_ =	strace $0x80000049;
	[dreg:$0x1] =	wrdreg $0xFFFFFFFF  }
0x1f: {  	s28 =	simm.s32 $_size_execute0_lowered;
	s3 =	sadd.s32 s3, s5;
	[dreg:$0x0] =	wrdreg $0x0  }
0x20: {  	s5 =	sshll.u32 s28, $0x1;
	[dreg:$0x2] =	wrdreg s3  }
0x21: {  	[dreg:$0x3] =	wrdreg s5  }
0x22: {  	[dreg:$0x4] =	wrdreg $0xC0  }
0x23: {  	_ =	task [dreg:s7], $0x5FFFF  }
0x24: {  	[dreg:$0x1] =	wrdreg $0xFFFFFFFF  }
0x25: {  	[dreg:$0x0] =	wrdreg $0x60  }
0x26: {  	[dreg:$0x2] =	wrdreg s25  }
0x27: {  	[dreg:$0x3] =	wrdreg s2  }
0x28: {  	[dreg:$0x4] =	wrdreg $0x9  }
0x29: {  	_ =	task.clear_ibuf [dreg:s7], $0x5FFFF;
	_ =	strace $0x90000049  }
0x2a: {  	s29 =	simm.s32 $0x9;
	_ =	strace $0x8000004B  }
0x2b: {  	_ =	swait.ge [sflag:s29], $0x1  }
0x2c: {  	[sflag:s29] =	ssyncadd.s32 $0xFFFFFFFF  }
0x2d: {  	_ =	strace $0x9000004B  }
0x2e: {  	_ =	sfence  }
0x2f: {  	s30 =	sld [smem:$0x0];
	_ =	sdelay $0x2  }
0x30: {  	s31 =	sshll.u32 s1, $0xD;
	s1 =	sshrl.u32 s1, $0x2  }
0x31: {  	s3 =	sand.u32 $0x4000, s31;
	s1 =	sadd.s32 s1, s30  }
0x32: {  	s0 =	sor.u32 s3, s0;
	s1 =	sshll.u32 s1, $0x11  }
0x33: {  	s0 =	sor.u32 s1, s0  }
0x34: {  	s0 =	sadd.s32 $0x8F2B, s0  }
0x35: {  	[sflag:s0] =	ssyncadd.remote.s32 $0x1  }
0x36: {  	_ =	sfence.sel $0xFFFF  }
0x37: {  	[dreg:$0x0] =	wrdreg $0xFFFFFFFF;
	(pc) =	sbr.abs _section_cstart, $3  }
0x38: {  	[dreg:$0x1] =	wrdreg $0xFFFFFFFF  }
0x39: {  	_ =	task.clear_ibuf [dreg:s7], $0x2FFFF;
	_ =	strace $0x9FFFFFFF  }
0x3a: {  	(tm) =	ssettm $0x7FFFFFFF  }
0x3b: {  	_ =	shalt  }
tec
execute0_lowered:
.L_overlay_start_1:
0x0: {  	(tag) =	ssettag $0x1  }
0x1: {  	s0 =	srdreg.scid  }
0x2: {  	s1 =	sshll.u32 s0, $0x4  }
0x3: {  	s0 =	stileid.u32;
	s1 =	sand.u32 $0x10, s1  }
0x4: {  	s1 =	sor.u32 s0, s1  }
0x5: {  	s6 =	rddreg [dreg:$0x0];
	s4 =	simm.s32 $0x1;
	s2 =	sshll.u32 s1, $0x7  }
0x6: {  	s7 =	simm.s32 $0x2;
	s12 =	simm.s32 $0x0;
	s1 =	ssub.s32 $0x1000, s2  }
0x7: {  	s8 =	simm.s32 $0x8000;
	s13 =	simm.s32 $0x0;
	s3 =	sand.u32 $0xF80, s1  }
0x8: {  	s9 =	simm.s32 $0x0;
	s5 =	sshrl.u32 s1, $0xC;
	p0 =	sne.s32 s3, $0x0  }
.Ltmp0:
0x9: {  	s1 =	rddreg [dreg:$0x2];
	s4 =	simm.s32 @!p0 $0x0;
	(pc) =	sbr.rel .LBB1_1-.Ltmp0, $4  }
0xa: {  	s11 =	simm.s32 $0x0;
	s3 =	rddreg [dreg:$0x1];
	s5 =	sadd.s32 s4, s5  }
0xb: {  	_ =	strace $0x8000004A;
	s4 =	simm.s32 $0x1;
	s5 =	smul.u32 $0x32, s5  }
0xc: {  	s6 =	sadd.s32 $0xA00, s6;
	s10 =	smov.u32 s2;
	[sflag:s4] =	ssyncpa.u1 $0x0  }
0xd: {  	p0 =	por $0x0, $0x0;
	[sflag:s7] =	ssyncpa.u1 $0x0;
	s7 =	sor.u32 $0x1, s5  }
.LBB1_4:
0xe: {  	s16 =	sshll.u32 s13, $0x3;
	s17 =	sand.u32 $0x78, s13  }
0xf: {  	s30 =	sand.u32 $0x7E00, s13;
	s12 =	sshll.u32 s12, $0xF;
	s16 =	sand.u32 $0xC00, s16  }
0x10: {  	[tilespmem:s15+$0x810 ss:$0x81] =	vst.msk $0xffff, v2;
	s31 =	sand.u32 $0x7, s13;
	s16 =	sor.u32 s17, s16;
	s17 =	sadd.s32 s3, s30  }
0x11: {  	[tilespmem:s15+$0x1020 ss:$0x81] =	vst.msk $0xffff, v0;
	s13 =	sshll.u32 s31, $0x12;
	s12 =	sadd.s32 s12, s17;
	s16 =	sshrl.u32 s16, $0x3  }
0x12: {  	[tilespmem:s15+$0x0 ss:$0x81] =	vst.msk $0xffff, v1;
	s13 =	sor.u32 $0x400, s13;
	s12 =	sadd.s32 s16, s12  }
0x13: {  	[hbm4b:s12+s13] =	stream.strided.scatter [tilespmem:s14], [sflag:$0x2], $0x2000, s8, s13, $0x20;
	[tilespmem:$0x8080] =	vst v63  }
.LBB1_5:
0x14: {  	s14 =	sadd.s32 $0x1, s9  }
0x15: {  	s12 =	sadd.s32 $0x1000, s10;
	s16 =	smov.u32 s10;
	p2 =	sgt.s32 s14, $0x31  }
0x16: {  	s16 =	smov.u32 @p2 s12  }
0x17: {  	s14 =	simm.s32 @p2 $0x0;
	p2 =	sgt.s32 s16, $0xFFF  }
0x18: {  	s16 =	smov.u32 @p2 s2;
	p2 =	sne.s32 s11, s7  }
.Ltmp1:
0x19: {  	p1 =	slt.u32 s11, $0x2;
	(pc) =	sbr.rel @!p2 .LBB1_6-.Ltmp1, $4  }
0x1a: {  	s15 =	simm.s32 @!p1 $0x2  }
0x1b: {  	s13 =	smov.u32 s10;
	p0 =	por !p0, !p0;
	_ =	swait.ge @!p1 [sflag:s15], $0x2000  }
0x1c: {  	s12 =	smov.u32 s9;
	[sflag:s15] =	ssyncset.done @!p1 $0x0;
	s9 =	smov.u32 s14  }
0x1d: {  	s11 =	sadd.s32 $0x1, s11;
	[sflag:s15] =	ssyncadd.s32 @!p1 $0xFFFFE000;
	s10 =	smov.u32 s16  }
.LBB1_1:
0x1e: {  	p1 =	sge.u32 s11, s5  }
0x1f: {  	s14 =	sand.u32 @!p1 $0x1FFFFFF, s9  }
0x20: {  	s15 =	smulhi.u32 @!p1 $0x4924925, s14;
	_ =	sdelay $0x1  }
0x21: {  	s15 =	smul.u32 @!p1 $0x38, s15  }
0x22: {  	s16 =	sxor.u32 @!p1 $0xFFFFFFFF, s11;
	s17 =	smul.u32 @!p1 $0x380, s10  }
0x23: {  	s31 =	sadd.s32 $0xFFFFFFFF, s11;
	s16 =	sshll.u32 @!p1 s16, $0xD;
	s14 =	ssub.s32 @!p1 s14, s15  }
0x24: {  	s15 =	sand.u32 @!p1 $0x2000, s16;
	s16 =	sadd.s32 @!p1 s6, s17;
	s14 =	sshll.u32 @!p1 s14, $0x4  }
0x25: {  	s17 =	simm.s32 @!p1 $0x1C00;
	s14 =	sadd.s32 @!p1 s14, s16;
	s16 =	simm.s32 @!p1 $0x40  }
0x26: {  	[tilespmem:s15], [sflag:$0x1] =	stream.strided.gather @!p1 [hbm4b:s14+s16], $0x2000, s17, s16, $0x38;
	[tilespmem:$0x8080] =	vst v63  }
0x27: {  	p1 =	sge.u32 s31, s5  }
.Ltmp2:
0x28: {  	_ = 	snop;
	(pc) =	sbr.rel @p1 .LBB1_5-.Ltmp2, $1  }
0x29: {  	_ =	sdelay $0x3  }
0x2a: {  	s14 =	simm.s32 $0x1  }
0x2b: {  	_ =	swait.ge [sflag:s4], $0x2000;
	s14 =	simm.s32 @!p0 $0x0  }
0x2c: {  	[sflag:s4] =	ssyncset.done $0x0;
	s15 =	sshll.u32 s14, $0xD  }
0x2d: {  	[sflag:s4] =	ssyncadd.s32 $0xFFFFE000;
	s18 =	sor.u32 $0x20, s15  }
0x2e: {  	s14 =	smul.u32 $0x8100, s14;
	v3 =	vld [tilespmem:s18+$0x10]  }
0x2f: {  	s30 =	sand.u32 $0x1, s11;
	v2 =	vld [tilespmem:s18+$0xFFFFFFF0]  }
0x30: {  	s15 =	smul.u32 $0x8100, s30;
	s14 =	sshrl.u32 s14, $0x2;
	v0 =	vld [tilespmem:s18+$0x0]  }
0x31: {  	v1 =	vld [tilespmem:s18+$0xFFFFFFE0];
	s16 =	sor.u32 $0x4000, s14  }
0x32: {  	s31 =	sshrl.u32 s15, $0x2;
	s15 =	sadd.s32 $0x0, s16  }
0x33: {  	s17 =	simm.s32 $0x4;
	s18 =	sadd.s32 $0x40, s18;
	s14 =	sor.u32 $0x4000, s31;
	[tilespmem:s15+$0x1830 ss:$0x81] =	vst.msk $0xffff, v3  }
.LBB1_3:
0x34: {  	v3 =	vld [tilespmem:s18+$0x10];
	p1 =	sne.s32 s17, $0x1FC;
	[tilespmem:s15+$0x810 ss:$0x81] =	vst.msk $0xffff, v2;
	s19 =	smov.u32 s17;
	s17 =	sadd.s32 $0x4, s17  }
.Ltmp3:
0x35: {  	v2 =	vld [tilespmem:s18+$0xFFFFFFF0];
	[tilespmem:s15+$0x1020 ss:$0x81] =	vst.msk $0xffff, v0;
	(pc) =	sbr.rel @p1 .LBB1_3-.Ltmp3, $4  }
0x36: {  	v0 =	vld [tilespmem:s18+$0x0];
	[tilespmem:s15+$0x0 ss:$0x81] =	vst.msk $0xffff, v1  }
0x37: {  	s15 =	sshra.s32 s19, $0x2;
	v1 =	vld [tilespmem:s18+$0xFFFFFFE0]  }
0x38: {  	s15 =	sadd.s32 s15, s16  }
0x39: {  	s18 =	sadd.s32 $0x40, s18;
	[tilespmem:s15+$0x1830 ss:$0x81] =	vst.msk $0xffff, v3  }
.Ltmp4:
0x3a: {  	_ = 	snop;
	(pc) =	sbr.rel .LBB1_4-.Ltmp4, $1  }
0x3b: {  	_ =	sdelay $0x3  }
.LBB1_6:
0x3c: {  	_ =	sfence.sel $0x180000  }
0x3d: {  	s2 =	simm.s32 $0x1;
	[bflag:$0x0] =	sbarrier.arrive $0xFFFF  }
0x3e: {  	s31 =	simm.s32 $0x2;
	[sflag:s2] =	ssyncpa.u1 $0x1  }
0x3f: {  	[sflag:s31] =	ssyncpa.u1 $0x1  }
0x40: {  	p0 =	sne.s32 s0, $0x0;
	_ =	strace $0x9000004A  }
0x41: {  	s0 =	sadd.s32 @!p0 $0x100000, s1;
	[bflag:$0x2] =	sbarrier.arrive $0xFFFF  }
0x42: {  	[sflag:s0] =	ssyncadd.tile.s32 @!p0 $0x1;
	_ =	shalt  }
.Lfunc_end1:
_tile_overlayer_lowered:
.L_overlay_start_2:
0x43: {  	(tag) =	ssettag $0x2  }
0x44: {  	s0 =	rddreg [dreg:$0x0];
	s2 =	stileid.u32  }
0x45: {  	s1 =	rddreg [dreg:$0x1];
	p0 =	sne.s32 s2, $0x0  }
0x46: {  	s3 =	rddreg [dreg:$0x2];
	[bflag:$0x3] =	sbarrier.arrive $0xFFFF;
	s2 =	simm.s32 @!p0 $0x1C01  }
0x47: {  	[timem:s3], [sflag:s2] =	dma.local @!p0 [hbm:s0], s1  }
0x48: {  	s0 =	simm.s32 @!p0 $0x1  }
0x49: {  	_ =	swait.ge @!p0 [sflag:s0], s1  }
0x4a: {  	s1 =	ssub.s32 @!p0 $0x0, s1;
	[sflag:s0] =	ssyncset.done @!p0 $0x0  }
0x4b: {  	[sflag:s0] =	ssyncadd.s32 @!p0 s1  }
0x4c: {  	[bflag:$0x3] =	sbarrier.arrive $0xFFFF  }
0x4d: {  	_ =	shalt  }

</sc_bundles>
